<compile_context>
chip_gen: v7x
topology: tpu7x:2x2x1
jax: 0.10.2.dev20260603
libtpu: 0.0.44.dev20260713+nightly
codegen_flags: <defaults>
</compile_context>

<pallas_src>
import functools

import jax
import jax.numpy as jnp
from jax import lax
from jax.experimental import pallas as pl
from jax.experimental.pallas import tpu as pltpu
from jax.experimental.pallas import tpu_sc as plsc

MAXD = 10
EDIM = 64
BATCH = 4096
EPS = 1e-5

NC, NS = 2, 16
NW = NC * NS
BBLK = BATCH // NW
NSTREAM = MAXD * EDIM


NIDX = BATCH * MAXD
CHUNK = 128
NCHUNK = NIDX // (NW * CHUNK)


def _gather_body(idx_hbm, table_hbm, out_hbm, idx_v, rows_v, sem):
    wid = lax.axis_index("s") * NC + lax.axis_index("c")
    pltpu.sync_copy(idx_hbm.at[wid], idx_v)

    def do_chunk(j, carry):
        def fire(g, c):
            vec = idx_v[j, pl.ds(g * 16, 16)]
            base = g * 16
            for k in range(16):
                pltpu.async_copy(table_hbm.at[vec[k]], rows_v.at[base + k],
                                 sem)
            return c
        lax.fori_loop(0, CHUNK // 16, fire, 0)
        pltpu.make_async_copy(out_hbm.at[wid, j], rows_v, sem).wait()
        pltpu.sync_copy(rows_v, out_hbm.at[wid, j])
        return carry

    lax.fori_loop(0, NCHUNK, do_chunk, 0)


@functools.cache
def _build_sc_gather():
    return pl.kernel(
        _gather_body,
        out_type=jax.ShapeDtypeStruct((NW, NCHUNK, CHUNK, EDIM),
                                      jnp.float32),
        mesh=plsc.VectorSubcoreMesh(
            core_axis_name="c", subcore_axis_name="s",
            num_cores=NC, num_subcores=NS,
        ),
        scratch_types=[
            pltpu.VMEM((NCHUNK, CHUNK), jnp.int32),
            pltpu.VMEM((CHUNK, EDIM), jnp.float32),
            pltpu.SemaphoreType.DMA,
        ],
    )


def _bn_relu(h, g, be):
    m = jnp.mean(h, axis=0, keepdims=True)
    c = h - m
    v = jnp.mean(c * c, axis=0, keepdims=True)
    return jnp.maximum(g * c * jax.lax.rsqrt(v + EPS) + be, 0.0)


def _mlp_body(e_ref, num_ref, w1e_ref, w1n_ref, b1_ref, g1_ref, be1_ref,
              w2_ref, b2_ref, g2_ref, be2_ref,
              w3_ref, b3_ref, g3_ref, be3_ref,
              wo_ref, bo_ref, out_ref):
    f32 = jnp.float32
    h1 = (jnp.dot(e_ref[...], w1e_ref[...], preferred_element_type=f32)
          + jnp.dot(num_ref[...], w1n_ref[...], preferred_element_type=f32)
          + b1_ref[...])
    h1 = _bn_relu(h1, g1_ref[...], be1_ref[...])
    h2 = jnp.dot(h1, w2_ref[...], preferred_element_type=f32) + b2_ref[...]
    h2 = _bn_relu(h2, g2_ref[...], be2_ref[...])
    h3 = jnp.dot(h2, w3_ref[...], preferred_element_type=f32) + b3_ref[...]
    h3 = _bn_relu(h3, g3_ref[...], be3_ref[...])
    out_ref[...] = (jnp.dot(h3, wo_ref[...], preferred_element_type=f32)
                    + bo_ref[...])


def kernel(x, emb, W1, b1, g1, be1, W2, b2, g2, be2, W3, b3, g3, be3, Wo, bo):
    idx = x[:, :MAXD].astype(jnp.int32).reshape(NW, NCHUNK, CHUNK)
    num = x[:, MAXD:]

    e = _build_sc_gather()(idx, emb).reshape(BATCH, MAXD * EDIM)

    W1t = W1.T
    w1e = W1t[:MAXD * EDIM]
    w1n = W1t[MAXD * EDIM:]

    out = pl.pallas_call(
        _mlp_body,
        out_shape=jax.ShapeDtypeStruct((BATCH, 2), jnp.float32),
    )(
        e, num, w1e, w1n,
        b1.reshape(1, -1), g1.reshape(1, -1), be1.reshape(1, -1),
        W2.T, b2.reshape(1, -1), g2.reshape(1, -1), be2.reshape(1, -1),
        W3.T, b3.reshape(1, -1), g3.reshape(1, -1), be3.reshape(1, -1),
        Wo.T, bo.reshape(1, -1),
    )
    return out

# --- scband reference (transcript-rebuilt; emitter-appended) ---
"""Pipeline reference for scband-advanced-drug-interaction-net-81655918231951 (READ-ONLY COPY).

The authoritative reference and input builder live on the scoring server;
editing this copy changes nothing except your own understanding.
"""

import jax, jax.numpy as jnp
import numpy as np

MAXD = 10
INPUT_SIZE = 110
B = 4096
VOCAB = 1000000
EDIM = 64
HID = [256, 128, 64]
NCLS = 2
EPS = 1e-5


def _xavier(key, out_dim, in_dim):
    limit = float(np.sqrt(6.0 / (in_dim + out_dim)))
    return jax.random.uniform(key, (out_dim, in_dim), minval=-limit, maxval=limit, dtype=jnp.float32)


def setup_inputs(seed: int = 0):
    key = jax.random.key(seed)
    ks = jax.random.split(key, 8)
    # x: first MAXD columns are drug ids (stored as float, cast to int in forward),
    # remaining columns are numerical features.
    x = jax.random.randint(ks[0], (B, INPUT_SIZE), 0, VOCAB).astype(jnp.float32)
    emb = jax.random.normal(ks[1], (VOCAB, EDIM), dtype=jnp.float32) * 0.1
    emb = emb.at[0].set(0.0)  # padding_idx=0
    tot = MAXD * EDIM + (INPUT_SIZE - MAXD)
    W1 = _xavier(ks[2], HID[0], tot)
    b1 = jnp.zeros((HID[0],), jnp.float32)
    g1 = jnp.ones((HID[0],), jnp.float32)
    be1 = jnp.zeros((HID[0],), jnp.float32)
    W2 = _xavier(ks[3], HID[1], HID[0])
    b2 = jnp.zeros((HID[1],), jnp.float32)
    g2 = jnp.ones((HID[1],), jnp.float32)
    be2 = jnp.zeros((HID[1],), jnp.float32)
    W3 = _xavier(ks[4], HID[2], HID[1])
    b3 = jnp.zeros((HID[2],), jnp.float32)
    g3 = jnp.ones((HID[2],), jnp.float32)
    be3 = jnp.zeros((HID[2],), jnp.float32)
    Wo = _xavier(ks[5], NCLS, HID[2])
    bo = jnp.zeros((NCLS,), jnp.float32)
    return {"x": x, "emb": emb, "W1": W1, "b1": b1, "g1": g1, "be1": be1,
            "W2": W2, "b2": b2, "g2": g2, "be2": be2,
            "W3": W3, "b3": b3, "g3": g3, "be3": be3,
            "Wo": Wo, "bo": bo}


def _bn(h, g, b):
    # BatchNorm1d in training mode: biased batch statistics
    m = jnp.mean(h, axis=0)
    v = jnp.var(h, axis=0)
    return g * (h - m) / jnp.sqrt(v + EPS) + b


def reference(x, emb, W1, b1, g1, be1, W2, b2, g2, be2, W3, b3, g3, be3, Wo, bo):
    idx = x[:, :MAXD].astype(jnp.int32)
    num = x[:, MAXD:]
    e = jnp.take(emb, idx, axis=0).reshape(x.shape[0], -1)
    h = jnp.concatenate([e, num], axis=1)
    h = jax.nn.relu(_bn(h @ W1.T + b1, g1, be1))
    h = jax.nn.relu(_bn(h @ W2.T + b2, g2, be2))
    h = jax.nn.relu(_bn(h @ W3.T + b3, g3, be3))
    return h @ Wo.T + bo

if __name__ == "__main__":
    import jax
    _d = setup_inputs()
    print(jax.jit(kernel)(*tuple(_d.values())))

</pallas_src>

<mosaic_0001>
#map = affine_map<(d0, d1) -> (0, 0, 0)>
#map1 = affine_map<(d0, d1) -> (0, 0)>
#map2 = affine_map<(d0, d1) -> (0, 0, 0, 0)>
module attributes {stable_mosaic.version = 14 : i64} {
  func.func @_gather_body(%arg0: i32, %arg1: i32, %arg2: memref<32x10x128xi32, #tpu.memory_space<hbm>>, %arg3: memref<1000000x64xf32, #tpu.memory_space<hbm>>, %arg4: memref<32x10x128x64xf32, #tpu.memory_space<hbm>>, %arg5: memref<10x128xi32, #tpu.memory_space<vmem>>, %arg6: memref<128x64xf32, #tpu.memory_space<vmem>>, %arg7: memref<!tpu.dma_semaphore, #tpu.memory_space<semaphore_mem>>) attributes {dimension_semantics = [#tpu.dimension_semantics<core_parallel>, #tpu.dimension_semantics<subcore_parallel>], iteration_bounds = array<i64: 2, 16>, scalar_prefetch = 0 : i64, scratch_operands = 3 : i64, tpu.core_type = #tpu.core_type<sc_vector_subcore>, window_params = [{transform_indices = #map}, {transform_indices = #map1}, {transform_indices = #map2}]} {
    %mul3A = arith.constant 2 : i32
    %mul3A_0 = arith.muli %arg1, %mul3A : i32
    %add3A = arith.addi %mul3A_0, %arg0 : i32
    "tpu.region"() ({
      %run_scoped3A = tpu.sem_alloc : memref<!tpu.dma_semaphore, #tpu.memory_space<semaphore_mem>>
      %dma_start3A = arith.constant 0 : i32
      %dma_start3A_6 = arith.constant 0 : i32
      %dma_start3A_7 = tpu.memref_slice %arg2[%add3A, %dma_start3A, %dma_start3A_6] : memref<32x10x128xi32, #tpu.memory_space<hbm>> -> memref<1x10x128xi32, #tpu.memory_space<hbm>>
      %dma_start3A_8 = tpu.memref_squeeze %dma_start3A_7 : memref<1x10x128xi32, #tpu.memory_space<hbm>> -> memref<10x128xi32, #tpu.memory_space<hbm>>
      %dma_start3A_9 = arith.constant 0 : i32
      %dma_start3A_10 = arith.constant 0 : i32
      %dma_start3A_11 = tpu.memref_slice %arg2[%add3A, %dma_start3A_9, %dma_start3A_10] : memref<32x10x128xi32, #tpu.memory_space<hbm>> -> memref<1x10x128xi32, #tpu.memory_space<hbm>>
      %dma_start3A_12 = tpu.memref_squeeze %dma_start3A_11 : memref<1x10x128xi32, #tpu.memory_space<hbm>> -> memref<10x128xi32, #tpu.memory_space<hbm>>
      tpu.enqueue_dma source(%dma_start3A_12 : memref<10x128xi32, #tpu.memory_space<hbm>>) target(%arg5 : memref<10x128xi32, #tpu.memory_space<vmem>>) target_semaphore(%run_scoped3A : memref<!tpu.dma_semaphore, #tpu.memory_space<semaphore_mem>>)
      %dma_wait3A = arith.constant 0 : i32
      %dma_wait3A_13 = arith.constant 0 : i32
      %dma_wait3A_14 = tpu.memref_slice %arg2[%add3A, %dma_wait3A, %dma_wait3A_13] : memref<32x10x128xi32, #tpu.memory_space<hbm>> -> memref<1x10x128xi32, #tpu.memory_space<hbm>>
      %dma_wait3A_15 = tpu.memref_squeeze %dma_wait3A_14 : memref<1x10x128xi32, #tpu.memory_space<hbm>> -> memref<10x128xi32, #tpu.memory_space<hbm>>
      %dma_wait3A_16 = arith.constant 0 : i32
      %dma_wait3A_17 = arith.constant 0 : i32
      %dma_wait3A_18 = tpu.memref_slice %arg2[%add3A, %dma_wait3A_16, %dma_wait3A_17] : memref<32x10x128xi32, #tpu.memory_space<hbm>> -> memref<1x10x128xi32, #tpu.memory_space<hbm>>
      %dma_wait3A_19 = tpu.memref_squeeze %dma_wait3A_18 : memref<1x10x128xi32, #tpu.memory_space<hbm>> -> memref<10x128xi32, #tpu.memory_space<hbm>>
      tpu.wait_dma2 semaphore(%run_scoped3A : memref<!tpu.dma_semaphore, #tpu.memory_space<semaphore_mem>>) src(%dma_wait3A_19 : memref<10x128xi32, #tpu.memory_space<hbm>>) dst(%arg5 : memref<10x128xi32, #tpu.memory_space<vmem>>)
      tpu.yield
    }) : () -> ()
    %scan3A = arith.constant 0 : i32
    %scan3A_1 = arith.constant 0 : i32
    %scan3A_2 = arith.constant 10 : i32
    %scan3A_3 = arith.addi %scan3A_1, %scan3A_2 : i32
    %scan3A_4 = arith.constant 1 : i32
    scf.for %scan3A_6 = %scan3A_1 to %scan3A_3 step %scan3A_4  : i32 {
      %scan3A_7 = arith.constant 0 : i32
      %scan3A_8 = arith.constant 0 : i32
      %scan3A_9 = arith.constant 8 : i32
      %scan3A_10 = arith.addi %scan3A_8, %scan3A_9 : i32
      %scan3A_11 = arith.constant 1 : i32
      scf.for %scan3A_20 = %scan3A_8 to %scan3A_10 step %scan3A_11  : i32 {
        %mul3A_21 = arith.constant 16 : i32
        %mul3A_22 = arith.muli %scan3A_20, %mul3A_21 : i32
        %get3A = arith.index_cast %scan3A_6 : i32 to index
        %get3A_23 = arith.index_cast %mul3A_22 : i32 to index
        %get3A_24 = tpu.vector_load %arg5[%get3A, %get3A_23] {strides = array<i32>} : memref<10x128xi32, #tpu.memory_space<vmem>>, vector<1x16xi32>,
        %get3A_25 = vector.shape_cast %get3A_24 : vector<1x16xi32> to vector<16xi32>
        %mul3A_26 = arith.constant 16 : i32
        %mul3A_27 = arith.muli %scan3A_20, %mul3A_26 : i32
        %slice3A = vector.extract_strided_slice %get3A_25 {offsets = [0], sizes = [1], strides = [1]} : vector<16xi32> to vector<1xi32>
        %squeeze3A = vector.extract %slice3A[0] : i32 from vector<1xi32>
        %add3A_28 = arith.constant 0 : i32
        %add3A_29 = arith.addi %mul3A_27, %add3A_28 : i32
        %dma_start3A = arith.constant 0 : i32
        %dma_start3A_30 = tpu.memref_slice %arg6[%add3A_29, %dma_start3A] : memref<128x64xf32, #tpu.memory_space<vmem>> -> memref<1x64xf32, #tpu.memory_space<vmem>>
        %dma_start3A_31 = tpu.memref_squeeze %dma_start3A_30 : memref<1x64xf32, #tpu.memory_space<vmem>> -> memref<64xf32, #tpu.memory_space<vmem>>
        %dma_start3A_32 = arith.constant 0 : i32
        %dma_start3A_33 = tpu.memref_slice %arg3[%squeeze3A, %dma_start3A_32] : memref<1000000x64xf32, #tpu.memory_space<hbm>> -> memref<1x64xf32, #tpu.memory_space<hbm>>
        %dma_start3A_34 = tpu.memref_squeeze %dma_start3A_33 : memref<1x64xf32, #tpu.memory_space<hbm>> -> memref<64xf32, #tpu.memory_space<hbm>>
        %dma_start3A_35 = arith.constant 0 : i32
        %dma_start3A_36 = tpu.memref_slice %arg6[%add3A_29, %dma_start3A_35] : memref<128x64xf32, #tpu.memory_space<vmem>> -> memref<1x64xf32, #tpu.memory_space<vmem>>
        %dma_start3A_37 = tpu.memref_squeeze %dma_start3A_36 : memref<1x64xf32, #tpu.memory_space<vmem>> -> memref<64xf32, #tpu.memory_space<vmem>>
        %dma_start3A_38 = arith.constant 0 : i32
        %dma_start3A_39 = tpu.memref_slice %arg3[%squeeze3A, %dma_start3A_38] : memref<1000000x64xf32, #tpu.memory_space<hbm>> -> memref<1x64xf32, #tpu.memory_space<hbm>>
        %dma_start3A_40 = tpu.memref_squeeze %dma_start3A_39 : memref<1x64xf32, #tpu.memory_space<hbm>> -> memref<64xf32, #tpu.memory_space<hbm>>
        tpu.enqueue_dma source(%dma_start3A_40 : memref<64xf32, #tpu.memory_space<hbm>>) target(%dma_start3A_37 : memref<64xf32, #tpu.memory_space<vmem>>) target_semaphore(%arg7 : memref<!tpu.dma_semaphore, #tpu.memory_space<semaphore_mem>>)
        %slice3A_41 = vector.extract_strided_slice %get3A_25 {offsets = [1], sizes = [1], strides = [1]} : vector<16xi32> to vector<1xi32>
        %squeeze3A_42 = vector.extract %slice3A_41[0] : i32 from vector<1xi32>
        %add3A_43 = arith.constant 1 : i32
        %add3A_44 = arith.addi %mul3A_27, %add3A_43 : i32
        %dma_start3A_45 = arith.constant 0 : i32
        %dma_start3A_46 = tpu.memref_slice %arg6[%add3A_44, %dma_start3A_45] : memref<128x64xf32, #tpu.memory_space<vmem>> -> memref<1x64xf32, #tpu.memory_space<vmem>>
        %dma_start3A_47 = tpu.memref_squeeze %dma_start3A_46 : memref<1x64xf32, #tpu.memory_space<vmem>> -> memref<64xf32, #tpu.memory_space<vmem>>
        %dma_start3A_48 = arith.constant 0 : i32
        %dma_start3A_49 = tpu.memref_slice %arg3[%squeeze3A_42, %dma_start3A_48] : memref<1000000x64xf32, #tpu.memory_space<hbm>> -> memref<1x64xf32, #tpu.memory_space<hbm>>
        %dma_start3A_50 = tpu.memref_squeeze %dma_start3A_49 : memref<1x64xf32, #tpu.memory_space<hbm>> -> memref<64xf32, #tpu.memory_space<hbm>>
        %dma_start3A_51 = arith.constant 0 : i32
        %dma_start3A_52 = tpu.memref_slice %arg6[%add3A_44, %dma_start3A_51] : memref<128x64xf32, #tpu.memory_space<vmem>> -> memref<1x64xf32, #tpu.memory_space<vmem>>
        %dma_start3A_53 = tpu.memref_squeeze %dma_start3A_52 : memref<1x64xf32, #tpu.memory_space<vmem>> -> memref<64xf32, #tpu.memory_space<vmem>>
        %dma_start3A_54 = arith.constant 0 : i32
        %dma_start3A_55 = tpu.memref_slice %arg3[%squeeze3A_42, %dma_start3A_54] : memref<1000000x64xf32, #tpu.memory_space<hbm>> -> memref<1x64xf32, #tpu.memory_space<hbm>>
        %dma_start3A_56 = tpu.memref_squeeze %dma_start3A_55 : memref<1x64xf32, #tpu.memory_space<hbm>> -> memref<64xf32, #tpu.memory_space<hbm>>
        tpu.enqueue_dma source(%dma_start3A_56 : memref<64xf32, #tpu.memory_space<hbm>>) target(%dma_start3A_53 : memref<64xf32, #tpu.memory_space<vmem>>) target_semaphore(%arg7 : memref<!tpu.dma_semaphore, #tpu.memory_space<semaphore_mem>>)
        %slice3A_57 = vector.extract_strided_slice %get3A_25 {offsets = [2], sizes = [1], strides = [1]} : vector<16xi32> to vector<1xi32>
        %squeeze3A_58 = vector.extract %slice3A_57[0] : i32 from vector<1xi32>
        %add3A_59 = arith.constant 2 : i32
        %add3A_60 = arith.addi %mul3A_27, %add3A_59 : i32
        %dma_start3A_61 = arith.constant 0 : i32
        %dma_start3A_62 = tpu.memref_slice %arg6[%add3A_60, %dma_start3A_61] : memref<128x64xf32, #tpu.memory_space<vmem>> -> memref<1x64xf32, #tpu.memory_space<vmem>>
        %dma_start3A_63 = tpu.memref_squeeze %dma_start3A_62 : memref<1x64xf32, #tpu.memory_space<vmem>> -> memref<64xf32, #tpu.memory_space<vmem>>
        %dma_start3A_64 = arith.constant 0 : i32
        %dma_start3A_65 = tpu.memref_slice %arg3[%squeeze3A_58, %dma_start3A_64] : memref<1000000x64xf32, #tpu.memory_space<hbm>> -> memref<1x64xf32, #tpu.memory_space<hbm>>
        %dma_start3A_66 = tpu.memref_squeeze %dma_start3A_65 : memref<1x64xf32, #tpu.memory_space<hbm>> -> memref<64xf32, #tpu.memory_space<hbm>>
        %dma_start3A_67 = arith.constant 0 : i32
        %dma_start3A_68 = tpu.memref_slice %arg6[%add3A_60, %dma_start3A_67] : memref<128x64xf32, #tpu.memory_space<vmem>> -> memref<1x64xf32, #tpu.memory_space<vmem>>
        %dma_start3A_69 = tpu.memref_squeeze %dma_start3A_68 : memref<1x64xf32, #tpu.memory_space<vmem>> -> memref<64xf32, #tpu.memory_space<vmem>>
        %dma_start3A_70 = arith.constant 0 : i32
        %dma_start3A_71 = tpu.memref_slice %arg3[%squeeze3A_58, %dma_start3A_70] : memref<1000000x64xf32, #tpu.memory_space<hbm>> -> memref<1x64xf32, #tpu.memory_space<hbm>>
        %dma_start3A_72 = tpu.memref_squeeze %dma_start3A_71 : memref<1x64xf32, #tpu.memory_space<hbm>> -> memref<64xf32, #tpu.memory_space<hbm>>
        tpu.enqueue_dma source(%dma_start3A_72 : memref<64xf32, #tpu.memory_space<hbm>>) target(%dma_start3A_69 : memref<64xf32, #tpu.memory_space<vmem>>) target_semaphore(%arg7 : memref<!tpu.dma_semaphore, #tpu.memory_space<semaphore_mem>>)
        %slice3A_73 = vector.extract_strided_slice %get3A_25 {offsets = [3], sizes = [1], strides = [1]} : vector<16xi32> to vector<1xi32>
        %squeeze3A_74 = vector.extract %slice3A_73[0] : i32 from vector<1xi32>
        %add3A_75 = arith.constant 3 : i32
        %add3A_76 = arith.addi %mul3A_27, %add3A_75 : i32
        %dma_start3A_77 = arith.constant 0 : i32
        %dma_start3A_78 = tpu.memref_slice %arg6[%add3A_76, %dma_start3A_77] : memref<128x64xf32, #tpu.memory_space<vmem>> -> memref<1x64xf32, #tpu.memory_space<vmem>>
        %dma_start3A_79 = tpu.memref_squeeze %dma_start3A_78 : memref<1x64xf32, #tpu.memory_space<vmem>> -> memref<64xf32, #tpu.memory_space<vmem>>
        %dma_start3A_80 = arith.constant 0 : i32
        %dma_start3A_81 = tpu.memref_slice %arg3[%squeeze3A_74, %dma_start3A_80] : memref<1000000x64xf32, #tpu.memory_space<hbm>> -> memref<1x64xf32, #tpu.memory_space<hbm>>
        %dma_start3A_82 = tpu.memref_squeeze %dma_start3A_81 : memref<1x64xf32, #tpu.memory_space<hbm>> -> memref<64xf32, #tpu.memory_space<hbm>>
        %dma_start3A_83 = arith.constant 0 : i32
        %dma_start3A_84 = tpu.memref_slice %arg6[%add3A_76, %dma_start3A_83] : memref<128x64xf32, #tpu.memory_space<vmem>> -> memref<1x64xf32, #tpu.memory_space<vmem>>
        %dma_start3A_85 = tpu.memref_squeeze %dma_start3A_84 : memref<1x64xf32, #tpu.memory_space<vmem>> -> memref<64xf32, #tpu.memory_space<vmem>>
        %dma_start3A_86 = arith.constant 0 : i32
        %dma_start3A_87 = tpu.memref_slice %arg3[%squeeze3A_74, %dma_start3A_86] : memref<1000000x64xf32, #tpu.memory_space<hbm>> -> memref<1x64xf32, #tpu.memory_space<hbm>>
        %dma_start3A_88 = tpu.memref_squeeze %dma_start3A_87 : memref<1x64xf32, #tpu.memory_space<hbm>> -> memref<64xf32, #tpu.memory_space<hbm>>
        tpu.enqueue_dma source(%dma_start3A_88 : memref<64xf32, #tpu.memory_space<hbm>>) target(%dma_start3A_85 : memref<64xf32, #tpu.memory_space<vmem>>) target_semaphore(%arg7 : memref<!tpu.dma_semaphore, #tpu.memory_space<semaphore_mem>>)
        %slice3A_89 = vector.extract_strided_slice %get3A_25 {offsets = [4], sizes = [1], strides = [1]} : vector<16xi32> to vector<1xi32>
        %squeeze3A_90 = vector.extract %slice3A_89[0] : i32 from vector<1xi32>
        %add3A_91 = arith.constant 4 : i32
        %add3A_92 = arith.addi %mul3A_27, %add3A_91 : i32
        %dma_start3A_93 = arith.constant 0 : i32
        %dma_start3A_94 = tpu.memref_slice %arg6[%add3A_92, %dma_start3A_93] : memref<128x64xf32, #tpu.memory_space<vmem>> -> memref<1x64xf32, #tpu.memory_space<vmem>>
        %dma_start3A_95 = tpu.memref_squeeze %dma_start3A_94 : memref<1x64xf32, #tpu.memory_space<vmem>> -> memref<64xf32, #tpu.memory_space<vmem>>
        %dma_start3A_96 = arith.constant 0 : i32
        %dma_start3A_97 = tpu.memref_slice %arg3[%squeeze3A_90, %dma_start3A_96] : memref<1000000x64xf32, #tpu.memory_space<hbm>> -> memref<1x64xf32, #tpu.memory_space<hbm>>
        %dma_start3A_98 = tpu.memref_squeeze %dma_start3A_97 : memref<1x64xf32, #tpu.memory_space<hbm>> -> memref<64xf32, #tpu.memory_space<hbm>>
        %dma_start3A_99 = arith.constant 0 : i32
        %dma_start3A_100 = tpu.memref_slice %arg6[%add3A_92, %dma_start3A_99] : memref<128x64xf32, #tpu.memory_space<vmem>> -> memref<1x64xf32, #tpu.memory_space<vmem>>
        %dma_start3A_101 = tpu.memref_squeeze %dma_start3A_100 : memref<1x64xf32, #tpu.memory_space<vmem>> -> memref<64xf32, #tpu.memory_space<vmem>>
        %dma_start3A_102 = arith.constant 0 : i32
        %dma_start3A_103 = tpu.memref_slice %arg3[%squeeze3A_90, %dma_start3A_102] : memref<1000000x64xf32, #tpu.memory_space<hbm>> -> memref<1x64xf32, #tpu.memory_space<hbm>>
        %dma_start3A_104 = tpu.memref_squeeze %dma_start3A_103 : memref<1x64xf32, #tpu.memory_space<hbm>> -> memref<64xf32, #tpu.memory_space<hbm>>
        tpu.enqueue_dma source(%dma_start3A_104 : memref<64xf32, #tpu.memory_space<hbm>>) target(%dma_start3A_101 : memref<64xf32, #tpu.memory_space<vmem>>) target_semaphore(%arg7 : memref<!tpu.dma_semaphore, #tpu.memory_space<semaphore_mem>>)
        %slice3A_105 = vector.extract_strided_slice %get3A_25 {offsets = [5], sizes = [1], strides = [1]} : vector<16xi32> to vector<1xi32>
        %squeeze3A_106 = vector.extract %slice3A_105[0] : i32 from vector<1xi32>
        %add3A_107 = arith.constant 5 : i32
        %add3A_108 = arith.addi %mul3A_27, %add3A_107 : i32
        %dma_start3A_109 = arith.constant 0 : i32
        %dma_start3A_110 = tpu.memref_slice %arg6[%add3A_108, %dma_start3A_109] : memref<128x64xf32, #tpu.memory_space<vmem>> -> memref<1x64xf32, #tpu.memory_space<vmem>>
        %dma_start3A_111 = tpu.memref_squeeze %dma_start3A_110 : memref<1x64xf32, #tpu.memory_space<vmem>> -> memref<64xf32, #tpu.memory_space<vmem>>
        %dma_start3A_112 = arith.constant 0 : i32
        %dma_start3A_113 = tpu.memref_slice %arg3[%squeeze3A_106, %dma_start3A_112] : memref<1000000x64xf32, #tpu.memory_space<hbm>> -> memref<1x64xf32, #tpu.memory_space<hbm>>
        %dma_start3A_114 = tpu.memref_squeeze %dma_start3A_113 : memref<1x64xf32, #tpu.memory_space<hbm>> -> memref<64xf32, #tpu.memory_space<hbm>>
        %dma_start3A_115 = arith.constant 0 : i32
        %dma_start3A_116 = tpu.memref_slice %arg6[%add3A_108, %dma_start3A_115] : memref<128x64xf32, #tpu.memory_space<vmem>> -> memref<1x64xf32, #tpu.memory_space<vmem>>
        %dma_start3A_117 = tpu.memref_squeeze %dma_start3A_116 : memref<1x64xf32, #tpu.memory_space<vmem>> -> memref<64xf32, #tpu.memory_space<vmem>>
        %dma_start3A_118 = arith.constant 0 : i32
        %dma_start3A_119 = tpu.memref_slice %arg3[%squeeze3A_106, %dma_start3A_118] : memref<1000000x64xf32, #tpu.memory_space<hbm>> -> memref<1x64xf32, #tpu.memory_space<hbm>>
        %dma_start3A_120 = tpu.memref_squeeze %dma_start3A_119 : memref<1x64xf32, #tpu.memory_space<hbm>> -> memref<64xf32, #tpu.memory_space<hbm>>
        tpu.enqueue_dma source(%dma_start3A_120 : memref<64xf32, #tpu.memory_space<hbm>>) target(%dma_start3A_117 : memref<64xf32, #tpu.memory_space<vmem>>) target_semaphore(%arg7 : memref<!tpu.dma_semaphore, #tpu.memory_space<semaphore_mem>>)
        %slice3A_121 = vector.extract_strided_slice %get3A_25 {offsets = [6], sizes = [1], strides = [1]} : vector<16xi32> to vector<1xi32>
        %squeeze3A_122 = vector.extract %slice3A_121[0] : i32 from vector<1xi32>
        %add3A_123 = arith.constant 6 : i32
        %add3A_124 = arith.addi %mul3A_27, %add3A_123 : i32
        %dma_start3A_125 = arith.constant 0 : i32
        %dma_start3A_126 = tpu.memref_slice %arg6[%add3A_124, %dma_start3A_125] : memref<128x64xf32, #tpu.memory_space<vmem>> -> memref<1x64xf32, #tpu.memory_space<vmem>>
        %dma_start3A_127 = tpu.memref_squeeze %dma_start3A_126 : memref<1x64xf32, #tpu.memory_space<vmem>> -> memref<64xf32, #tpu.memory_space<vmem>>
        %dma_start3A_128 = arith.constant 0 : i32
        %dma_start3A_129 = tpu.memref_slice %arg3[%squeeze3A_122, %dma_start3A_128] : memref<1000000x64xf32, #tpu.memory_space<hbm>> -> memref<1x64xf32, #tpu.memory_space<hbm>>
        %dma_start3A_130 = tpu.memref_squeeze %dma_start3A_129 : memref<1x64xf32, #tpu.memory_space<hbm>> -> memref<64xf32, #tpu.memory_space<hbm>>
        %dma_start3A_131 = arith.constant 0 : i32
        %dma_start3A_132 = tpu.memref_slice %arg6[%add3A_124, %dma_start3A_131] : memref<128x64xf32, #tpu.memory_space<vmem>> -> memref<1x64xf32, #tpu.memory_space<vmem>>
        %dma_start3A_133 = tpu.memref_squeeze %dma_start3A_132 : memref<1x64xf32, #tpu.memory_space<vmem>> -> memref<64xf32, #tpu.memory_space<vmem>>
        %dma_start3A_134 = arith.constant 0 : i32
        %dma_start3A_135 = tpu.memref_slice %arg3[%squeeze3A_122, %dma_start3A_134] : memref<1000000x64xf32, #tpu.memory_space<hbm>> -> memref<1x64xf32, #tpu.memory_space<hbm>>
        %dma_start3A_136 = tpu.memref_squeeze %dma_start3A_135 : memref<1x64xf32, #tpu.memory_space<hbm>> -> memref<64xf32, #tpu.memory_space<hbm>>
        tpu.enqueue_dma source(%dma_start3A_136 : memref<64xf32, #tpu.memory_space<hbm>>) target(%dma_start3A_133 : memref<64xf32, #tpu.memory_space<vmem>>) target_semaphore(%arg7 : memref<!tpu.dma_semaphore, #tpu.memory_space<semaphore_mem>>)
        %slice3A_137 = vector.extract_strided_slice %get3A_25 {offsets = [7], sizes = [1], strides = [1]} : vector<16xi32> to vector<1xi32>
        %squeeze3A_138 = vector.extract %slice3A_137[0] : i32 from vector<1xi32>
        %add3A_139 = arith.constant 7 : i32
        %add3A_140 = arith.addi %mul3A_27, %add3A_139 : i32
        %dma_start3A_141 = arith.constant 0 : i32
        %dma_start3A_142 = tpu.memref_slice %arg6[%add3A_140, %dma_start3A_141] : memref<128x64xf32, #tpu.memory_space<vmem>> -> memref<1x64xf32, #tpu.memory_space<vmem>>
        %dma_start3A_143 = tpu.memref_squeeze %dma_start3A_142 : memref<1x64xf32, #tpu.memory_space<vmem>> -> memref<64xf32, #tpu.memory_space<vmem>>
        %dma_start3A_144 = arith.constant 0 : i32
        %dma_start3A_145 = tpu.memref_slice %arg3[%squeeze3A_138, %dma_start3A_144] : memref<1000000x64xf32, #tpu.memory_space<hbm>> -> memref<1x64xf32, #tpu.memory_space<hbm>>
        %dma_start3A_146 = tpu.memref_squeeze %dma_start3A_145 : memref<1x64xf32, #tpu.memory_space<hbm>> -> memref<64xf32, #tpu.memory_space<hbm>>
        %dma_start3A_147 = arith.constant 0 : i32
        %dma_start3A_148 = tpu.memref_slice %arg6[%add3A_140, %dma_start3A_147] : memref<128x64xf32, #tpu.memory_space<vmem>> -> memref<1x64xf32, #tpu.memory_space<vmem>>
        %dma_start3A_149 = tpu.memref_squeeze %dma_start3A_148 : memref<1x64xf32, #tpu.memory_space<vmem>> -> memref<64xf32, #tpu.memory_space<vmem>>
        %dma_start3A_150 = arith.constant 0 : i32
        %dma_start3A_151 = tpu.memref_slice %arg3[%squeeze3A_138, %dma_start3A_150] : memref<1000000x64xf32, #tpu.memory_space<hbm>> -> memref<1x64xf32, #tpu.memory_space<hbm>>
        %dma_start3A_152 = tpu.memref_squeeze %dma_start3A_151 : memref<1x64xf32, #tpu.memory_space<hbm>> -> memref<64xf32, #tpu.memory_space<hbm>>
        tpu.enqueue_dma source(%dma_start3A_152 : memref<64xf32, #tpu.memory_space<hbm>>) target(%dma_start3A_149 : memref<64xf32, #tpu.memory_space<vmem>>) target_semaphore(%arg7 : memref<!tpu.dma_semaphore, #tpu.memory_space<semaphore_mem>>)
        %slice3A_153 = vector.extract_strided_slice %get3A_25 {offsets = [8], sizes = [1], strides = [1]} : vector<16xi32> to vector<1xi32>
        %squeeze3A_154 = vector.extract %slice3A_153[0] : i32 from vector<1xi32>
        %add3A_155 = arith.constant 8 : i32
        %add3A_156 = arith.addi %mul3A_27, %add3A_155 : i32
        %dma_start3A_157 = arith.constant 0 : i32
        %dma_start3A_158 = tpu.memref_slice %arg6[%add3A_156, %dma_start3A_157] : memref<128x64xf32, #tpu.memory_space<vmem>> -> memref<1x64xf32, #tpu.memory_space<vmem>>
        %dma_start3A_159 = tpu.memref_squeeze %dma_start3A_158 : memref<1x64xf32, #tpu.memory_space<vmem>> -> memref<64xf32, #tpu.memory_space<vmem>>
        %dma_start3A_160 = arith.constant 0 : i32
        %dma_start3A_161 = tpu.memref_slice %arg3[%squeeze3A_154, %dma_start3A_160] : memref<1000000x64xf32, #tpu.memory_space<hbm>> -> memref<1x64xf32, #tpu.memory_space<hbm>>
        %dma_start3A_162 = tpu.memref_squeeze %dma_start3A_161 : memref<1x64xf32, #tpu.memory_space<hbm>> -> memref<64xf32, #tpu.memory_space<hbm>>
        %dma_start3A_163 = arith.constant 0 : i32
        %dma_start3A_164 = tpu.memref_slice %arg6[%add3A_156, %dma_start3A_163] : memref<128x64xf32, #tpu.memory_space<vmem>> -> memref<1x64xf32, #tpu.memory_space<vmem>>
        %dma_start3A_165 = tpu.memref_squeeze %dma_start3A_164 : memref<1x64xf32, #tpu.memory_space<vmem>> -> memref<64xf32, #tpu.memory_space<vmem>>
        %dma_start3A_166 = arith.constant 0 : i32
        %dma_start3A_167 = tpu.memref_slice %arg3[%squeeze3A_154, %dma_start3A_166] : memref<1000000x64xf32, #tpu.memory_space<hbm>> -> memref<1x64xf32, #tpu.memory_space<hbm>>
        %dma_start3A_168 = tpu.memref_squeeze %dma_start3A_167 : memref<1x64xf32, #tpu.memory_space<hbm>> -> memref<64xf32, #tpu.memory_space<hbm>>
        tpu.enqueue_dma source(%dma_start3A_168 : memref<64xf32, #tpu.memory_space<hbm>>) target(%dma_start3A_165 : memref<64xf32, #tpu.memory_space<vmem>>) target_semaphore(%arg7 : memref<!tpu.dma_semaphore, #tpu.memory_space<semaphore_mem>>)
        %slice3A_169 = vector.extract_strided_slice %get3A_25 {offsets = [9], sizes = [1], strides = [1]} : vector<16xi32> to vector<1xi32>
        %squeeze3A_170 = vector.extract %slice3A_169[0] : i32 from vector<1xi32>
        %add3A_171 = arith.constant 9 : i32
        %add3A_172 = arith.addi %mul3A_27, %add3A_171 : i32
        %dma_start3A_173 = arith.constant 0 : i32
        %dma_start3A_174 = tpu.memref_slice %arg6[%add3A_172, %dma_start3A_173] : memref<128x64xf32, #tpu.memory_space<vmem>> -> memref<1x64xf32, #tpu.memory_space<vmem>>
        %dma_start3A_175 = tpu.memref_squeeze %dma_start3A_174 : memref<1x64xf32, #tpu.memory_space<vmem>> -> memref<64xf32, #tpu.memory_space<vmem>>
        %dma_start3A_176 = arith.constant 0 : i32
        %dma_start3A_177 = tpu.memref_slice %arg3[%squeeze3A_170, %dma_start3A_176] : memref<1000000x64xf32, #tpu.memory_space<hbm>> -> memref<1x64xf32, #tpu.memory_space<hbm>>
        %dma_start3A_178 = tpu.memref_squeeze %dma_start3A_177 : memref<1x64xf32, #tpu.memory_space<hbm>> -> memref<64xf32, #tpu.memory_space<hbm>>
        %dma_start3A_179 = arith.constant 0 : i32
        %dma_start3A_180 = tpu.memref_slice %arg6[%add3A_172, %dma_start3A_179] : memref<128x64xf32, #tpu.memory_space<vmem>> -> memref<1x64xf32, #tpu.memory_space<vmem>>
        %dma_start3A_181 = tpu.memref_squeeze %dma_start3A_180 : memref<1x64xf32, #tpu.memory_space<vmem>> -> memref<64xf32, #tpu.memory_space<vmem>>
        %dma_start3A_182 = arith.constant 0 : i32
        %dma_start3A_183 = tpu.memref_slice %arg3[%squeeze3A_170, %dma_start3A_182] : memref<1000000x64xf32, #tpu.memory_space<hbm>> -> memref<1x64xf32, #tpu.memory_space<hbm>>
        %dma_start3A_184 = tpu.memref_squeeze %dma_start3A_183 : memref<1x64xf32, #tpu.memory_space<hbm>> -> memref<64xf32, #tpu.memory_space<hbm>>
        tpu.enqueue_dma source(%dma_start3A_184 : memref<64xf32, #tpu.memory_space<hbm>>) target(%dma_start3A_181 : memref<64xf32, #tpu.memory_space<vmem>>) target_semaphore(%arg7 : memref<!tpu.dma_semaphore, #tpu.memory_space<semaphore_mem>>)
        %slice3A_185 = vector.extract_strided_slice %get3A_25 {offsets = [10], sizes = [1], strides = [1]} : vector<16xi32> to vector<1xi32>
        %squeeze3A_186 = vector.extract %slice3A_185[0] : i32 from vector<1xi32>
        %add3A_187 = arith.constant 10 : i32
        %add3A_188 = arith.addi %mul3A_27, %add3A_187 : i32
        %dma_start3A_189 = arith.constant 0 : i32
        %dma_start3A_190 = tpu.memref_slice %arg6[%add3A_188, %dma_start3A_189] : memref<128x64xf32, #tpu.memory_space<vmem>> -> memref<1x64xf32, #tpu.memory_space<vmem>>
        %dma_start3A_191 = tpu.memref_squeeze %dma_start3A_190 : memref<1x64xf32, #tpu.memory_space<vmem>> -> memref<64xf32, #tpu.memory_space<vmem>>
        %dma_start3A_192 = arith.constant 0 : i32
        %dma_start3A_193 = tpu.memref_slice %arg3[%squeeze3A_186, %dma_start3A_192] : memref<1000000x64xf32, #tpu.memory_space<hbm>> -> memref<1x64xf32, #tpu.memory_space<hbm>>
        %dma_start3A_194 = tpu.memref_squeeze %dma_start3A_193 : memref<1x64xf32, #tpu.memory_space<hbm>> -> memref<64xf32, #tpu.memory_space<hbm>>
        %dma_start3A_195 = arith.constant 0 : i32
        %dma_start3A_196 = tpu.memref_slice %arg6[%add3A_188, %dma_start3A_195] : memref<128x64xf32, #tpu.memory_space<vmem>> -> memref<1x64xf32, #tpu.memory_space<vmem>>
        %dma_start3A_197 = tpu.memref_squeeze %dma_start3A_196 : memref<1x64xf32, #tpu.memory_space<vmem>> -> memref<64xf32, #tpu.memory_space<vmem>>
        %dma_start3A_198 = arith.constant 0 : i32
        %dma_start3A_199 = tpu.memref_slice %arg3[%squeeze3A_186, %dma_start3A_198] : memref<1000000x64xf32, #tpu.memory_space<hbm>> -> memref<1x64xf32, #tpu.memory_space<hbm>>
        %dma_start3A_200 = tpu.memref_squeeze %dma_start3A_199 : memref<1x64xf32, #tpu.memory_space<hbm>> -> memref<64xf32, #tpu.memory_space<hbm>>
        tpu.enqueue_dma source(%dma_start3A_200 : memref<64xf32, #tpu.memory_space<hbm>>) target(%dma_start3A_197 : memref<64xf32, #tpu.memory_space<vmem>>) target_semaphore(%arg7 : memref<!tpu.dma_semaphore, #tpu.memory_space<semaphore_mem>>)
        %slice3A_201 = vector.extract_strided_slice %get3A_25 {offsets = [11], sizes = [1], strides = [1]} : vector<16xi32> to vector<1xi32>
        %squeeze3A_202 = vector.extract %slice3A_201[0] : i32 from vector<1xi32>
        %add3A_203 = arith.constant 11 : i32
        %add3A_204 = arith.addi %mul3A_27, %add3A_203 : i32
        %dma_start3A_205 = arith.constant 0 : i32
        %dma_start3A_206 = tpu.memref_slice %arg6[%add3A_204, %dma_start3A_205] : memref<128x64xf32, #tpu.memory_space<vmem>> -> memref<1x64xf32, #tpu.memory_space<vmem>>
        %dma_start3A_207 = tpu.memref_squeeze %dma_start3A_206 : memref<1x64xf32, #tpu.memory_space<vmem>> -> memref<64xf32, #tpu.memory_space<vmem>>
        %dma_start3A_208 = arith.constant 0 : i32
        %dma_start3A_209 = tpu.memref_slice %arg3[%squeeze3A_202, %dma_start3A_208] : memref<1000000x64xf32, #tpu.memory_space<hbm>> -> memref<1x64xf32, #tpu.memory_space<hbm>>
        %dma_start3A_210 = tpu.memref_squeeze %dma_start3A_209 : memref<1x64xf32, #tpu.memory_space<hbm>> -> memref<64xf32, #tpu.memory_space<hbm>>
        %dma_start3A_211 = arith.constant 0 : i32
        %dma_start3A_212 = tpu.memref_slice %arg6[%add3A_204, %dma_start3A_211] : memref<128x64xf32, #tpu.memory_space<vmem>> -> memref<1x64xf32, #tpu.memory_space<vmem>>
        %dma_start3A_213 = tpu.memref_squeeze %dma_start3A_212 : memref<1x64xf32, #tpu.memory_space<vmem>> -> memref<64xf32, #tpu.memory_space<vmem>>
        %dma_start3A_214 = arith.constant 0 : i32
        %dma_start3A_215 = tpu.memref_slice %arg3[%squeeze3A_202, %dma_start3A_214] : memref<1000000x64xf32, #tpu.memory_space<hbm>> -> memref<1x64xf32, #tpu.memory_space<hbm>>
        %dma_start3A_216 = tpu.memref_squeeze %dma_start3A_215 : memref<1x64xf32, #tpu.memory_space<hbm>> -> memref<64xf32, #tpu.memory_space<hbm>>
        tpu.enqueue_dma source(%dma_start3A_216 : memref<64xf32, #tpu.memory_space<hbm>>) target(%dma_start3A_213 : memref<64xf32, #tpu.memory_space<vmem>>) target_semaphore(%arg7 : memref<!tpu.dma_semaphore, #tpu.memory_space<semaphore_mem>>)
        %slice3A_217 = vector.extract_strided_slice %get3A_25 {offsets = [12], sizes = [1], strides = [1]} : vector<16xi32> to vector<1xi32>
        %squeeze3A_218 = vector.extract %slice3A_217[0] : i32 from vector<1xi32>
        %add3A_219 = arith.constant 12 : i32
        %add3A_220 = arith.addi %mul3A_27, %add3A_219 : i32
        %dma_start3A_221 = arith.constant 0 : i32
        %dma_start3A_222 = tpu.memref_slice %arg6[%add3A_220, %dma_start3A_221] : memref<128x64xf32, #tpu.memory_space<vmem>> -> memref<1x64xf32, #tpu.memory_space<vmem>>
        %dma_start3A_223 = tpu.memref_squeeze %dma_start3A_222 : memref<1x64xf32, #tpu.memory_space<vmem>> -> memref<64xf32, #tpu.memory_space<vmem>>
        %dma_start3A_224 = arith.constant 0 : i32
        %dma_start3A_225 = tpu.memref_slice %arg3[%squeeze3A_218, %dma_start3A_224] : memref<1000000x64xf32, #tpu.memory_space<hbm>> -> memref<1x64xf32, #tpu.memory_space<hbm>>
        %dma_start3A_226 = tpu.memref_squeeze %dma_start3A_225 : memref<1x64xf32, #tpu.memory_space<hbm>> -> memref<64xf32, #tpu.memory_space<hbm>>
        %dma_start3A_227 = arith.constant 0 : i32
        %dma_start3A_228 = tpu.memref_slice %arg6[%add3A_220, %dma_start3A_227] : memref<128x64xf32, #tpu.memory_space<vmem>> -> memref<1x64xf32, #tpu.memory_space<vmem>>
        %dma_start3A_229 = tpu.memref_squeeze %dma_start3A_228 : memref<1x64xf32, #tpu.memory_space<vmem>> -> memref<64xf32, #tpu.memory_space<vmem>>
        %dma_start3A_230 = arith.constant 0 : i32
        %dma_start3A_231 = tpu.memref_slice %arg3[%squeeze3A_218, %dma_start3A_230] : memref<1000000x64xf32, #tpu.memory_space<hbm>> -> memref<1x64xf32, #tpu.memory_space<hbm>>
        %dma_start3A_232 = tpu.memref_squeeze %dma_start3A_231 : memref<1x64xf32, #tpu.memory_space<hbm>> -> memref<64xf32, #tpu.memory_space<hbm>>
        tpu.enqueue_dma source(%dma_start3A_232 : memref<64xf32, #tpu.memory_space<hbm>>) target(%dma_start3A_229 : memref<64xf32, #tpu.memory_space<vmem>>) target_semaphore(%arg7 : memref<!tpu.dma_semaphore, #tpu.memory_space<semaphore_mem>>)
        %slice3A_233 = vector.extract_strided_slice %get3A_25 {offsets = [13], sizes = [1], strides = [1]} : vector<16xi32> to vector<1xi32>
        %squeeze3A_234 = vector.extract %slice3A_233[0] : i32 from vector<1xi32>
        %add3A_235 = arith.constant 13 : i32
        %add3A_236 = arith.addi %mul3A_27, %add3A_235 : i32
        %dma_start3A_237 = arith.constant 0 : i32
        %dma_start3A_238 = tpu.memref_slice %arg6[%add3A_236, %dma_start3A_237] : memref<128x64xf32, #tpu.memory_space<vmem>> -> memref<1x64xf32, #tpu.memory_space<vmem>>
        %dma_start3A_239 = tpu.memref_squeeze %dma_start3A_238 : memref<1x64xf32, #tpu.memory_space<vmem>> -> memref<64xf32, #tpu.memory_space<vmem>>
        %dma_start3A_240 = arith.constant 0 : i32
        %dma_start3A_241 = tpu.memref_slice %arg3[%squeeze3A_234, %dma_start3A_240] : memref<1000000x64xf32, #tpu.memory_space<hbm>> -> memref<1x64xf32, #tpu.memory_space<hbm>>
        %dma_start3A_242 = tpu.memref_squeeze %dma_start3A_241 : memref<1x64xf32, #tpu.memory_space<hbm>> -> memref<64xf32, #tpu.memory_space<hbm>>
        %dma_start3A_243 = arith.constant 0 : i32
        %dma_start3A_244 = tpu.memref_slice %arg6[%add3A_236, %dma_start3A_243] : memref<128x64xf32, #tpu.memory_space<vmem>> -> memref<1x64xf32, #tpu.memory_space<vmem>>
        %dma_start3A_245 = tpu.memref_squeeze %dma_start3A_244 : memref<1x64xf32, #tpu.memory_space<vmem>> -> memref<64xf32, #tpu.memory_space<vmem>>
        %dma_start3A_246 = arith.constant 0 : i32
        %dma_start3A_247 = tpu.memref_slice %arg3[%squeeze3A_234, %dma_start3A_246] : memref<1000000x64xf32, #tpu.memory_space<hbm>> -> memref<1x64xf32, #tpu.memory_space<hbm>>
        %dma_start3A_248 = tpu.memref_squeeze %dma_start3A_247 : memref<1x64xf32, #tpu.memory_space<hbm>> -> memref<64xf32, #tpu.memory_space<hbm>>
        tpu.enqueue_dma source(%dma_start3A_248 : memref<64xf32, #tpu.memory_space<hbm>>) target(%dma_start3A_245 : memref<64xf32, #tpu.memory_space<vmem>>) target_semaphore(%arg7 : memref<!tpu.dma_semaphore, #tpu.memory_space<semaphore_mem>>)
        %slice3A_249 = vector.extract_strided_slice %get3A_25 {offsets = [14], sizes = [1], strides = [1]} : vector<16xi32> to vector<1xi32>
        %squeeze3A_250 = vector.extract %slice3A_249[0] : i32 from vector<1xi32>
        %add3A_251 = arith.constant 14 : i32
        %add3A_252 = arith.addi %mul3A_27, %add3A_251 : i32
        %dma_start3A_253 = arith.constant 0 : i32
        %dma_start3A_254 = tpu.memref_slice %arg6[%add3A_252, %dma_start3A_253] : memref<128x64xf32, #tpu.memory_space<vmem>> -> memref<1x64xf32, #tpu.memory_space<vmem>>
        %dma_start3A_255 = tpu.memref_squeeze %dma_start3A_254 : memref<1x64xf32, #tpu.memory_space<vmem>> -> memref<64xf32, #tpu.memory_space<vmem>>
        %dma_start3A_256 = arith.constant 0 : i32
        %dma_start3A_257 = tpu.memref_slice %arg3[%squeeze3A_250, %dma_start3A_256] : memref<1000000x64xf32, #tpu.memory_space<hbm>> -> memref<1x64xf32, #tpu.memory_space<hbm>>
        %dma_start3A_258 = tpu.memref_squeeze %dma_start3A_257 : memref<1x64xf32, #tpu.memory_space<hbm>> -> memref<64xf32, #tpu.memory_space<hbm>>
        %dma_start3A_259 = arith.constant 0 : i32
        %dma_start3A_260 = tpu.memref_slice %arg6[%add3A_252, %dma_start3A_259] : memref<128x64xf32, #tpu.memory_space<vmem>> -> memref<1x64xf32, #tpu.memory_space<vmem>>
        %dma_start3A_261 = tpu.memref_squeeze %dma_start3A_260 : memref<1x64xf32, #tpu.memory_space<vmem>> -> memref<64xf32, #tpu.memory_space<vmem>>
        %dma_start3A_262 = arith.constant 0 : i32
        %dma_start3A_263 = tpu.memref_slice %arg3[%squeeze3A_250, %dma_start3A_262] : memref<1000000x64xf32, #tpu.memory_space<hbm>> -> memref<1x64xf32, #tpu.memory_space<hbm>>
        %dma_start3A_264 = tpu.memref_squeeze %dma_start3A_263 : memref<1x64xf32, #tpu.memory_space<hbm>> -> memref<64xf32, #tpu.memory_space<hbm>>
        tpu.enqueue_dma source(%dma_start3A_264 : memref<64xf32, #tpu.memory_space<hbm>>) target(%dma_start3A_261 : memref<64xf32, #tpu.memory_space<vmem>>) target_semaphore(%arg7 : memref<!tpu.dma_semaphore, #tpu.memory_space<semaphore_mem>>)
        %slice3A_265 = vector.extract_strided_slice %get3A_25 {offsets = [15], sizes = [1], strides = [1]} : vector<16xi32> to vector<1xi32>
        %squeeze3A_266 = vector.extract %slice3A_265[0] : i32 from vector<1xi32>
        %add3A_267 = arith.constant 15 : i32
        %add3A_268 = arith.addi %mul3A_27, %add3A_267 : i32
        %dma_start3A_269 = arith.constant 0 : i32
        %dma_start3A_270 = tpu.memref_slice %arg6[%add3A_268, %dma_start3A_269] : memref<128x64xf32, #tpu.memory_space<vmem>> -> memref<1x64xf32, #tpu.memory_space<vmem>>
        %dma_start3A_271 = tpu.memref_squeeze %dma_start3A_270 : memref<1x64xf32, #tpu.memory_space<vmem>> -> memref<64xf32, #tpu.memory_space<vmem>>
        %dma_start3A_272 = arith.constant 0 : i32
        %dma_start3A_273 = tpu.memref_slice %arg3[%squeeze3A_266, %dma_start3A_272] : memref<1000000x64xf32, #tpu.memory_space<hbm>> -> memref<1x64xf32, #tpu.memory_space<hbm>>
        %dma_start3A_274 = tpu.memref_squeeze %dma_start3A_273 : memref<1x64xf32, #tpu.memory_space<hbm>> -> memref<64xf32, #tpu.memory_space<hbm>>
        %dma_start3A_275 = arith.constant 0 : i32
        %dma_start3A_276 = tpu.memref_slice %arg6[%add3A_268, %dma_start3A_275] : memref<128x64xf32, #tpu.memory_space<vmem>> -> memref<1x64xf32, #tpu.memory_space<vmem>>
        %dma_start3A_277 = tpu.memref_squeeze %dma_start3A_276 : memref<1x64xf32, #tpu.memory_space<vmem>> -> memref<64xf32, #tpu.memory_space<vmem>>
        %dma_start3A_278 = arith.constant 0 : i32
        %dma_start3A_279 = tpu.memref_slice %arg3[%squeeze3A_266, %dma_start3A_278] : memref<1000000x64xf32, #tpu.memory_space<hbm>> -> memref<1x64xf32, #tpu.memory_space<hbm>>
        %dma_start3A_280 = tpu.memref_squeeze %dma_start3A_279 : memref<1x64xf32, #tpu.memory_space<hbm>> -> memref<64xf32, #tpu.memory_space<hbm>>
        tpu.enqueue_dma source(%dma_start3A_280 : memref<64xf32, #tpu.memory_space<hbm>>) target(%dma_start3A_277 : memref<64xf32, #tpu.memory_space<vmem>>) target_semaphore(%arg7 : memref<!tpu.dma_semaphore, #tpu.memory_space<semaphore_mem>>)
      }
      %scan3A_12 = arith.constant 8 : i32
      %dma_wait3A = arith.constant 0 : i32
      %dma_wait3A_13 = arith.constant 0 : i32
      %dma_wait3A_14 = tpu.memref_slice %arg4[%add3A, %scan3A_6, %dma_wait3A, %dma_wait3A_13] : memref<32x10x128x64xf32, #tpu.memory_space<hbm>> -> memref<1x1x128x64xf32, #tpu.memory_space<hbm>>
      %dma_wait3A_15 = tpu.memref_squeeze %dma_wait3A_14 : memref<1x1x128x64xf32, #tpu.memory_space<hbm>> -> memref<128x64xf32, #tpu.memory_space<hbm>>
      %dma_wait3A_16 = arith.constant 0 : i32
      %dma_wait3A_17 = arith.constant 0 : i32
      %dma_wait3A_18 = tpu.memref_slice %arg4[%add3A, %scan3A_6, %dma_wait3A_16, %dma_wait3A_17] : memref<32x10x128x64xf32, #tpu.memory_space<hbm>> -> memref<1x1x128x64xf32, #tpu.memory_space<hbm>>
      %dma_wait3A_19 = tpu.memref_squeeze %dma_wait3A_18 : memref<1x1x128x64xf32, #tpu.memory_space<hbm>> -> memref<128x64xf32, #tpu.memory_space<hbm>>
      tpu.wait_dma2 semaphore(%arg7 : memref<!tpu.dma_semaphore, #tpu.memory_space<semaphore_mem>>) src(%dma_wait3A_19 : memref<128x64xf32, #tpu.memory_space<hbm>>) dst(%arg6 : memref<128x64xf32, #tpu.memory_space<vmem>>)
      "tpu.region"() ({
        %run_scoped3A = tpu.sem_alloc : memref<!tpu.dma_semaphore, #tpu.memory_space<semaphore_mem>>
        %dma_start3A = arith.constant 0 : i32
        %dma_start3A_20 = arith.constant 0 : i32
        %dma_start3A_21 = tpu.memref_slice %arg4[%add3A, %scan3A_6, %dma_start3A, %dma_start3A_20] : memref<32x10x128x64xf32, #tpu.memory_space<hbm>> -> memref<1x1x128x64xf32, #tpu.memory_space<hbm>>
        %dma_start3A_22 = tpu.memref_squeeze %dma_start3A_21 : memref<1x1x128x64xf32, #tpu.memory_space<hbm>> -> memref<128x64xf32, #tpu.memory_space<hbm>>
        %dma_start3A_23 = arith.constant 0 : i32
        %dma_start3A_24 = arith.constant 0 : i32
        %dma_start3A_25 = tpu.memref_slice %arg4[%add3A, %scan3A_6, %dma_start3A_23, %dma_start3A_24] : memref<32x10x128x64xf32, #tpu.memory_space<hbm>> -> memref<1x1x128x64xf32, #tpu.memory_space<hbm>>
        %dma_start3A_26 = tpu.memref_squeeze %dma_start3A_25 : memref<1x1x128x64xf32, #tpu.memory_space<hbm>> -> memref<128x64xf32, #tpu.memory_space<hbm>>
        tpu.enqueue_dma source(%arg6 : memref<128x64xf32, #tpu.memory_space<vmem>>) target(%dma_start3A_26 : memref<128x64xf32, #tpu.memory_space<hbm>>) target_semaphore(%run_scoped3A : memref<!tpu.dma_semaphore, #tpu.memory_space<semaphore_mem>>)
        %dma_wait3A_27 = arith.constant 0 : i32
        %dma_wait3A_28 = arith.constant 0 : i32
        %dma_wait3A_29 = tpu.memref_slice %arg4[%add3A, %scan3A_6, %dma_wait3A_27, %dma_wait3A_28] : memref<32x10x128x64xf32, #tpu.memory_space<hbm>> -> memref<1x1x128x64xf32, #tpu.memory_space<hbm>>
        %dma_wait3A_30 = tpu.memref_squeeze %dma_wait3A_29 : memref<1x1x128x64xf32, #tpu.memory_space<hbm>> -> memref<128x64xf32, #tpu.memory_space<hbm>>
        %dma_wait3A_31 = arith.constant 0 : i32
        %dma_wait3A_32 = arith.constant 0 : i32
        %dma_wait3A_33 = tpu.memref_slice %arg4[%add3A, %scan3A_6, %dma_wait3A_31, %dma_wait3A_32] : memref<32x10x128x64xf32, #tpu.memory_space<hbm>> -> memref<1x1x128x64xf32, #tpu.memory_space<hbm>>
        %dma_wait3A_34 = tpu.memref_squeeze %dma_wait3A_33 : memref<1x1x128x64xf32, #tpu.memory_space<hbm>> -> memref<128x64xf32, #tpu.memory_space<hbm>>
        tpu.wait_dma2 semaphore(%run_scoped3A : memref<!tpu.dma_semaphore, #tpu.memory_space<semaphore_mem>>) src(%arg6 : memref<128x64xf32, #tpu.memory_space<vmem>>) dst(%dma_wait3A_34 : memref<128x64xf32, #tpu.memory_space<hbm>>)
        tpu.yield
      }) : () -> ()
    }
    %scan3A_5 = arith.constant 10 : i32
    return
  }
}

module attributes {stable_mosaic.version = 14 : i64} {
  func.func @_mlp_body(%arg0: memref<4096x640xf32, #tpu.memory_space<vmem>>, %arg1: memref<4096x100xf32, #tpu.memory_space<vmem>>, %arg2: memref<640x256xf32, #tpu.memory_space<vmem>>, %arg3: memref<100x256xf32, #tpu.memory_space<vmem>>, %arg4: memref<1x256xf32, #tpu.memory_space<vmem>>, %arg5: memref<1x256xf32, #tpu.memory_space<vmem>>, %arg6: memref<1x256xf32, #tpu.memory_space<vmem>>, %arg7: memref<256x128xf32, #tpu.memory_space<vmem>>, %arg8: memref<1x128xf32, #tpu.memory_space<vmem>>, %arg9: memref<1x128xf32, #tpu.memory_space<vmem>>, %arg10: memref<1x128xf32, #tpu.memory_space<vmem>>, %arg11: memref<128x64xf32, #tpu.memory_space<vmem>>, %arg12: memref<1x64xf32, #tpu.memory_space<vmem>>, %arg13: memref<1x64xf32, #tpu.memory_space<vmem>>, %arg14: memref<1x64xf32, #tpu.memory_space<vmem>>, %arg15: memref<64x2xf32, #tpu.memory_space<vmem>>, %arg16: memref<1x2xf32, #tpu.memory_space<vmem>>, %arg17: memref<4096x2xf32, #tpu.memory_space<vmem>>) attributes {dimension_semantics = [], scalar_prefetch = 0 : i64, scratch_operands = 0 : i64, tpu.core_type = #tpu.core_type<tc>} {
    %get3A = arith.constant 0 : index
    %get3A_0 = arith.constant 0 : index
    %get3A_1 = vector.load %arg0[%get3A, %get3A_0] : memref<4096x640xf32, #tpu.memory_space<vmem>>, vector<4096x640xf32>
    %get3A_2 = arith.constant 0 : index
    %get3A_3 = arith.constant 0 : index
    %get3A_4 = vector.load %arg2[%get3A_2, %get3A_3] : memref<640x256xf32, #tpu.memory_space<vmem>>, vector<640x256xf32>
    %dot_general3A = arith.constant dense<0.000000e+00> : vector<4096x256xf32>
    %dot_general3A_5 = tpu.matmul %get3A_1, %get3A_4, %dot_general3A {dimension_numbers = #tpu.dot_dimension_numbers<[1], [0], [0], [1], [0, 0, 1, 1], [], []>, transpose_lhs_hint = false} : vector<4096x640xf32>, vector<640x256xf32>, vector<4096x256xf32> -> vector<4096x256xf32>
    %get3A_6 = arith.constant 0 : index
    %get3A_7 = arith.constant 0 : index
    %get3A_8 = vector.load %arg1[%get3A_6, %get3A_7] : memref<4096x100xf32, #tpu.memory_space<vmem>>, vector<4096x100xf32>
    %get3A_9 = arith.constant 0 : index
    %get3A_10 = arith.constant 0 : index
    %get3A_11 = vector.load %arg3[%get3A_9, %get3A_10] : memref<100x256xf32, #tpu.memory_space<vmem>>, vector<100x256xf32>
    %dot_general3A_12 = arith.constant dense<0.000000e+00> : vector<4096x256xf32>
    %dot_general3A_13 = tpu.matmul %get3A_8, %get3A_11, %dot_general3A_12 {dimension_numbers = #tpu.dot_dimension_numbers<[1], [0], [0], [1], [0, 0, 1, 1], [], []>, transpose_lhs_hint = false} : vector<4096x100xf32>, vector<100x256xf32>, vector<4096x256xf32> -> vector<4096x256xf32>
    %add3A = arith.addf %dot_general3A_5, %dot_general3A_13 : vector<4096x256xf32>
    %get3A_14 = arith.constant 0 : index
    %get3A_15 = arith.constant 0 : index
    %get3A_16 = vector.load %arg4[%get3A_14, %get3A_15] : memref<1x256xf32, #tpu.memory_space<vmem>>, vector<1x256xf32>
    %add3A_17 = vector.broadcast %get3A_16 : vector<1x256xf32> to vector<4096x256xf32>
    %add3A_18 = arith.addf %add3A, %add3A_17 : vector<4096x256xf32>
    %get3A_19 = arith.constant 0 : index
    %get3A_20 = arith.constant 0 : index
    %get3A_21 = vector.load %arg5[%get3A_19, %get3A_20] : memref<1x256xf32, #tpu.memory_space<vmem>>, vector<1x256xf32>
    %get3A_22 = arith.constant 0 : index
    %get3A_23 = arith.constant 0 : index
    %get3A_24 = vector.load %arg6[%get3A_22, %get3A_23] : memref<1x256xf32, #tpu.memory_space<vmem>>, vector<1x256xf32>
    %reduce_sum3A = arith.constant dense<0.000000e+00> : vector<256xf32>
    %reduce_sum3A_25 = vector.multi_reduction <add>, %add3A_18, %reduce_sum3A [0] : vector<4096x256xf32> to vector<256xf32>
    %broadcast_in_dim3A = vector.shape_cast %reduce_sum3A_25 : vector<256xf32> to vector<1x256xf32>
    %div3A = arith.constant 4.096000e+03 : f32
    %div3A_26 = vector.broadcast %div3A : f32 to vector<1x256xf32>
    %div3A_27 = arith.divf %broadcast_in_dim3A, %div3A_26 : vector<1x256xf32>
    %sub3A = vector.broadcast %div3A_27 : vector<1x256xf32> to vector<4096x256xf32>
    %sub3A_28 = arith.subf %add3A_18, %sub3A : vector<4096x256xf32>
    %mul3A = arith.mulf %sub3A_28, %sub3A_28 : vector<4096x256xf32>
    %reduce_sum3A_29 = arith.constant dense<0.000000e+00> : vector<256xf32>
    %reduce_sum3A_30 = vector.multi_reduction <add>, %mul3A, %reduce_sum3A_29 [0] : vector<4096x256xf32> to vector<256xf32>
    %broadcast_in_dim3A_31 = vector.shape_cast %reduce_sum3A_30 : vector<256xf32> to vector<1x256xf32>
    %div3A_32 = arith.constant 4.096000e+03 : f32
    %div3A_33 = vector.broadcast %div3A_32 : f32 to vector<1x256xf32>
    %div3A_34 = arith.divf %broadcast_in_dim3A_31, %div3A_33 : vector<1x256xf32>
    %mul3A_35 = vector.broadcast %get3A_21 : vector<1x256xf32> to vector<4096x256xf32>
    %mul3A_36 = arith.mulf %mul3A_35, %sub3A_28 : vector<4096x256xf32>
    %add3A_37 = arith.constant 9.99999974E-6 : f32
    %add3A_38 = vector.broadcast %add3A_37 : f32 to vector<1x256xf32>
    %add3A_39 = arith.addf %div3A_34, %add3A_38 : vector<1x256xf32>
    %rsqrt3A = math.rsqrt %add3A_39 : vector<1x256xf32>
    %mul3A_40 = vector.broadcast %rsqrt3A : vector<1x256xf32> to vector<4096x256xf32>
    %mul3A_41 = arith.mulf %mul3A_36, %mul3A_40 : vector<4096x256xf32>
    %add3A_42 = vector.broadcast %get3A_24 : vector<1x256xf32> to vector<4096x256xf32>
    %add3A_43 = arith.addf %mul3A_41, %add3A_42 : vector<4096x256xf32>
    %max3A = arith.constant 0.000000e+00 : f32
    %max3A_44 = vector.broadcast %max3A : f32 to vector<4096x256xf32>
    %max3A_45 = arith.maximumf %add3A_43, %max3A_44 : vector<4096x256xf32>
    %get3A_46 = arith.constant 0 : index
    %get3A_47 = arith.constant 0 : index
    %get3A_48 = vector.load %arg7[%get3A_46, %get3A_47] : memref<256x128xf32, #tpu.memory_space<vmem>>, vector<256x128xf32>
    %dot_general3A_49 = arith.constant dense<0.000000e+00> : vector<4096x128xf32>
    %dot_general3A_50 = tpu.matmul %max3A_45, %get3A_48, %dot_general3A_49 {dimension_numbers = #tpu.dot_dimension_numbers<[1], [0], [0], [1], [0, 0, 1, 1], [], []>, transpose_lhs_hint = false} : vector<4096x256xf32>, vector<256x128xf32>, vector<4096x128xf32> -> vector<4096x128xf32>
    %get3A_51 = arith.constant 0 : index
    %get3A_52 = arith.constant 0 : index
    %get3A_53 = vector.load %arg8[%get3A_51, %get3A_52] : memref<1x128xf32, #tpu.memory_space<vmem>>, vector<1x128xf32>
    %add3A_54 = vector.broadcast %get3A_53 : vector<1x128xf32> to vector<4096x128xf32>
    %add3A_55 = arith.addf %dot_general3A_50, %add3A_54 : vector<4096x128xf32>
    %get3A_56 = arith.constant 0 : index
    %get3A_57 = arith.constant 0 : index
    %get3A_58 = vector.load %arg9[%get3A_56, %get3A_57] : memref<1x128xf32, #tpu.memory_space<vmem>>, vector<1x128xf32>
    %get3A_59 = arith.constant 0 : index
    %get3A_60 = arith.constant 0 : index
    %get3A_61 = vector.load %arg10[%get3A_59, %get3A_60] : memref<1x128xf32, #tpu.memory_space<vmem>>, vector<1x128xf32>
    %reduce_sum3A_62 = arith.constant dense<0.000000e+00> : vector<128xf32>
    %reduce_sum3A_63 = vector.multi_reduction <add>, %add3A_55, %reduce_sum3A_62 [0] : vector<4096x128xf32> to vector<128xf32>
    %broadcast_in_dim3A_64 = vector.shape_cast %reduce_sum3A_63 : vector<128xf32> to vector<1x128xf32>
    %div3A_65 = arith.constant 4.096000e+03 : f32
    %div3A_66 = vector.broadcast %div3A_65 : f32 to vector<1x128xf32>
    %div3A_67 = arith.divf %broadcast_in_dim3A_64, %div3A_66 : vector<1x128xf32>
    %sub3A_68 = vector.broadcast %div3A_67 : vector<1x128xf32> to vector<4096x128xf32>
    %sub3A_69 = arith.subf %add3A_55, %sub3A_68 : vector<4096x128xf32>
    %mul3A_70 = arith.mulf %sub3A_69, %sub3A_69 : vector<4096x128xf32>
    %reduce_sum3A_71 = arith.constant dense<0.000000e+00> : vector<128xf32>
    %reduce_sum3A_72 = vector.multi_reduction <add>, %mul3A_70, %reduce_sum3A_71 [0] : vector<4096x128xf32> to vector<128xf32>
    %broadcast_in_dim3A_73 = vector.shape_cast %reduce_sum3A_72 : vector<128xf32> to vector<1x128xf32>
    %div3A_74 = arith.constant 4.096000e+03 : f32
    %div3A_75 = vector.broadcast %div3A_74 : f32 to vector<1x128xf32>
    %div3A_76 = arith.divf %broadcast_in_dim3A_73, %div3A_75 : vector<1x128xf32>
    %mul3A_77 = vector.broadcast %get3A_58 : vector<1x128xf32> to vector<4096x128xf32>
    %mul3A_78 = arith.mulf %mul3A_77, %sub3A_69 : vector<4096x128xf32>
    %add3A_79 = arith.constant 9.99999974E-6 : f32
    %add3A_80 = vector.broadcast %add3A_79 : f32 to vector<1x128xf32>
    %add3A_81 = arith.addf %div3A_76, %add3A_80 : vector<1x128xf32>
    %rsqrt3A_82 = math.rsqrt %add3A_81 : vector<1x128xf32>
    %mul3A_83 = vector.broadcast %rsqrt3A_82 : vector<1x128xf32> to vector<4096x128xf32>
    %mul3A_84 = arith.mulf %mul3A_78, %mul3A_83 : vector<4096x128xf32>
    %add3A_85 = vector.broadcast %get3A_61 : vector<1x128xf32> to vector<4096x128xf32>
    %add3A_86 = arith.addf %mul3A_84, %add3A_85 : vector<4096x128xf32>
    %max3A_87 = arith.constant 0.000000e+00 : f32
    %max3A_88 = vector.broadcast %max3A_87 : f32 to vector<4096x128xf32>
    %max3A_89 = arith.maximumf %add3A_86, %max3A_88 : vector<4096x128xf32>
    %get3A_90 = arith.constant 0 : index
    %get3A_91 = arith.constant 0 : index
    %get3A_92 = vector.load %arg11[%get3A_90, %get3A_91] : memref<128x64xf32, #tpu.memory_space<vmem>>, vector<128x64xf32>
    %dot_general3A_93 = arith.constant dense<0.000000e+00> : vector<4096x64xf32>
    %dot_general3A_94 = tpu.matmul %max3A_89, %get3A_92, %dot_general3A_93 {dimension_numbers = #tpu.dot_dimension_numbers<[1], [0], [0], [1], [0, 0, 1, 1], [], []>, transpose_lhs_hint = false} : vector<4096x128xf32>, vector<128x64xf32>, vector<4096x64xf32> -> vector<4096x64xf32>
    %get3A_95 = arith.constant 0 : index
    %get3A_96 = arith.constant 0 : index
    %get3A_97 = vector.load %arg12[%get3A_95, %get3A_96] : memref<1x64xf32, #tpu.memory_space<vmem>>, vector<1x64xf32>
    %add3A_98 = vector.broadcast %get3A_97 : vector<1x64xf32> to vector<4096x64xf32>
    %add3A_99 = arith.addf %dot_general3A_94, %add3A_98 : vector<4096x64xf32>
    %get3A_100 = arith.constant 0 : index
    %get3A_101 = arith.constant 0 : index
    %get3A_102 = vector.load %arg13[%get3A_100, %get3A_101] : memref<1x64xf32, #tpu.memory_space<vmem>>, vector<1x64xf32>
    %get3A_103 = arith.constant 0 : index
    %get3A_104 = arith.constant 0 : index
    %get3A_105 = vector.load %arg14[%get3A_103, %get3A_104] : memref<1x64xf32, #tpu.memory_space<vmem>>, vector<1x64xf32>
    %reduce_sum3A_106 = arith.constant dense<0.000000e+00> : vector<64xf32>
    %reduce_sum3A_107 = vector.multi_reduction <add>, %add3A_99, %reduce_sum3A_106 [0] : vector<4096x64xf32> to vector<64xf32>
    %broadcast_in_dim3A_108 = vector.shape_cast %reduce_sum3A_107 : vector<64xf32> to vector<1x64xf32>
    %div3A_109 = arith.constant 4.096000e+03 : f32
    %div3A_110 = vector.broadcast %div3A_109 : f32 to vector<1x64xf32>
    %div3A_111 = arith.divf %broadcast_in_dim3A_108, %div3A_110 : vector<1x64xf32>
    %sub3A_112 = vector.broadcast %div3A_111 : vector<1x64xf32> to vector<4096x64xf32>
    %sub3A_113 = arith.subf %add3A_99, %sub3A_112 : vector<4096x64xf32>
    %mul3A_114 = arith.mulf %sub3A_113, %sub3A_113 : vector<4096x64xf32>
    %reduce_sum3A_115 = arith.constant dense<0.000000e+00> : vector<64xf32>
    %reduce_sum3A_116 = vector.multi_reduction <add>, %mul3A_114, %reduce_sum3A_115 [0] : vector<4096x64xf32> to vector<64xf32>
    %broadcast_in_dim3A_117 = vector.shape_cast %reduce_sum3A_116 : vector<64xf32> to vector<1x64xf32>
    %div3A_118 = arith.constant 4.096000e+03 : f32
    %div3A_119 = vector.broadcast %div3A_118 : f32 to vector<1x64xf32>
    %div3A_120 = arith.divf %broadcast_in_dim3A_117, %div3A_119 : vector<1x64xf32>
    %mul3A_121 = vector.broadcast %get3A_102 : vector<1x64xf32> to vector<4096x64xf32>
    %mul3A_122 = arith.mulf %mul3A_121, %sub3A_113 : vector<4096x64xf32>
    %add3A_123 = arith.constant 9.99999974E-6 : f32
    %add3A_124 = vector.broadcast %add3A_123 : f32 to vector<1x64xf32>
    %add3A_125 = arith.addf %div3A_120, %add3A_124 : vector<1x64xf32>
    %rsqrt3A_126 = math.rsqrt %add3A_125 : vector<1x64xf32>
    %mul3A_127 = vector.broadcast %rsqrt3A_126 : vector<1x64xf32> to vector<4096x64xf32>
    %mul3A_128 = arith.mulf %mul3A_122, %mul3A_127 : vector<4096x64xf32>
    %add3A_129 = vector.broadcast %get3A_105 : vector<1x64xf32> to vector<4096x64xf32>
    %add3A_130 = arith.addf %mul3A_128, %add3A_129 : vector<4096x64xf32>
    %max3A_131 = arith.constant 0.000000e+00 : f32
    %max3A_132 = vector.broadcast %max3A_131 : f32 to vector<4096x64xf32>
    %max3A_133 = arith.maximumf %add3A_130, %max3A_132 : vector<4096x64xf32>
    %get3A_134 = arith.constant 0 : index
    %get3A_135 = arith.constant 0 : index
    %get3A_136 = vector.load %arg15[%get3A_134, %get3A_135] : memref<64x2xf32, #tpu.memory_space<vmem>>, vector<64x2xf32>
    %dot_general3A_137 = arith.constant dense<0.000000e+00> : vector<4096x2xf32>
    %dot_general3A_138 = tpu.matmul %max3A_133, %get3A_136, %dot_general3A_137 {dimension_numbers = #tpu.dot_dimension_numbers<[1], [0], [0], [1], [0, 0, 1, 1], [], []>, transpose_lhs_hint = false} : vector<4096x64xf32>, vector<64x2xf32>, vector<4096x2xf32> -> vector<4096x2xf32>
    %get3A_139 = arith.constant 0 : index
    %get3A_140 = arith.constant 0 : index
    %get3A_141 = vector.load %arg16[%get3A_139, %get3A_140] : memref<1x2xf32, #tpu.memory_space<vmem>>, vector<1x2xf32>
    %add3A_142 = vector.broadcast %get3A_141 : vector<1x2xf32> to vector<4096x2xf32>
    %add3A_143 = arith.addf %dot_general3A_138, %add3A_142 : vector<4096x2xf32>
    %swap3A = arith.constant 0 : index
    %swap3A_144 = arith.constant 0 : index
    %swap3A_145 = vector.load %arg17[%swap3A, %swap3A_144] : memref<4096x2xf32, #tpu.memory_space<vmem>>, vector<4096x2xf32>
    tpu.vector_store %arg17[%swap3A, %swap3A_144], %add3A_143 {strides = array<i32>} : memref<4096x2xf32, #tpu.memory_space<vmem>>, vector<4096x2xf32>,
    return
  }
}

</mosaic_0001>

<sc_bundles>
// kernel: kernel.4.cloned.1.call-start
scs
__scs_entry_jumppad:
0x0: {  	(pc) =	sbr.rel $0x88, $3  }
0x1: {  	(tag) =	ssettag $0x0;
	lr =	simm.s32 $0x1  }
0x2: {  	[smem:$0x3F91] =	sst lr;
	_ =	strace $0xD0000000  }
0x3: {  	_ = 	snop  }
0x4: {  	_ = 	snop  }
0x5: {  	_ = 	snop  }
0x6: {  	_ = 	snop  }
0x7: {  	_ = 	snop  }
__scs_overlays_trampoline_lowered:
0x8: {  	[smem:$0x3FA0] =	sst s0  }
0x9: {  	[smem:$0x3FA1] =	sst s1  }
0xa: {  	[smem:$0x3FA2] =	sst s2  }
0xb: {  	[smem:$0x3FA3] =	sst s3  }
0xc: {  	[smem:$0x3FA4] =	sst s4  }
0xd: {  	[smem:$0x3FA5] =	sst s5  }
0xe: {  	[smem:$0x3FA6] =	sst s6  }
0xf: {  	[smem:$0x3FA7] =	sst s7  }
0x10: {  	[smem:$0x3FA8] =	sst s8  }
0x11: {  	[smem:$0x3FA9] =	sst s9;
	s0 =	simm.s32 @!p0 $0x0  }
0x12: {  	s1 =	sld [smem:$0x3F8F];
	s0 =	simm.s32 @p0 $0x1  }
0x13: {  	[smem:$0x3FAA] =	sst s0;
	s0 =	simm.s32 @!p1 $0x0  }
0x14: {  	s2 =	sld [smem:$0x3F8E];
	s0 =	simm.s32 @p1 $0x1  }
0x15: {  	[smem:$0x3FAB] =	sst s0;
	s0 =	simm.s32 @!p2 $0x0  }
0x16: {  	s3 =	sld [smem:$0x3FDB];
	s0 =	simm.s32 @p2 $0x1  }
0x17: {  	s4 =	simm.s32 $0x1BF5;
	[smem:$0x3FAD] =	sst s0  }
0x18: {  	s0 =	sld [smem:$0x3F90];
	_ =	swait.ge [sflag:s4], $0x0  }
0x19: {  	s7 =	sld [smem:$0x3F91]  }
0x1a: {  	s8 =	sadd.s32 $0xFFFFE003, lr  }
0x1b: {  	s9 =	sadd.s32 $0xFFFFFEF7, lr;
	s5 =	simm.s32 $0xFFFFFFFF;
	p2 =	slt.u32 s8, $0xFFFFF086  }
0x1c: {  	p1 =	slt.u32 s9, $0xF7A;
	s5 =	simm.s32 @!p2 $0x0  }
0x1d: {  	s5 =	simm.s32 @p1 $0x1;
	p0 =	seq.s32 s7, s2  }
0x1e: {  	s7 =	smul.u32 @!p0 $0xF7A, s2;
	p2 =	seq.s32 @!p0 s5, $0x0  }
0x1f: {  	s9 =	smul.u32 $0xF7A, s1;
	s8 =	simm.s32 @!p0 $0x1BF5;
	p2 =	por !p2, p0  }
0x20: {  	[sflag:s8] =	ssyncset.s32 @!p0 $0xFFFFF086;
	s6 =	sadd.s32 @!p0 s3, s7;
	s7 =	simm.s32 @!p0 $0x108  }
0x21: {  	s3 =	sadd.s32 s3, s9;
	s6 =	sadd.s32 @!p0 $0x88, s6;
	s7 =	simm.s32 @p2 $0x1082  }
0x22: {  	[simem:s7], [sflag:s8] =	dma.local @!p0 [hbm:s6], $0xF7A  }
0x23: {  	s9 =	sor.u32 $0xD0000000, s2;
	s6 =	simm.s32 $0x108;
	_ =	swait.ge @!p0 [sflag:s8], $0x0  }
0x24: {  	s3 =	sadd.s32 $0x88, s3;
	s6 =	simm.s32 @!p1 $0x1082;
	[sflag:s4] =	ssyncset.s32 $0xFFFFF086  }
0x25: {  	[simem:s6], [sflag:s4] =	dma.local [hbm:s3], $0xF7A  }
0x26: {  	[smem:$0x3F91] =	sst s1;
	(tag) =	ssettag s2;
	_ =	strace s9  }
0x27: {  	s1 =	sld [smem:$0x3FA1]  }
0x28: {  	s2 =	sld [smem:$0x3FA2]  }
0x29: {  	s4 =	sld [smem:$0x3FA4]  }
0x2a: {  	p0 =	seq.s32 s5, $0x0;
	s5 =	sld [smem:$0x3FA5]  }
0x2b: {  	s6 =	sld [smem:$0x3FA6]  }
0x2c: {  	s7 =	sld [smem:$0x3FA7]  }
0x2d: {  	s3 =	simm.s32 $0x108;
	s8 =	sld [smem:$0x3FA8]  }
0x2e: {  	s3 =	simm.s32 @!p0 $0x1082;
	s9 =	sld [smem:$0x3FA9]  }
0x2f: {  	lr =	sadd.s32 s0, s3;
	s0 =	sld [smem:$0x3FA0]  }
0x30: {  	s3 =	sld [smem:$0x3FA3]  }
0x31: {  	[smem:$0x3FAC] =	sst s10  }
0x32: {  	s10 =	sld [smem:$0x3FAA];
	_ =	sdelay $0x3  }
0x33: {  	p0 =	seq.s32 s10, $0x1;
	s10 =	sld [smem:$0x3FAC];
	_ =	sdelay $0x3  }
0x34: {  	[smem:$0x3FAC] =	sst s10  }
0x35: {  	s10 =	sld [smem:$0x3FAB];
	_ =	sdelay $0x3  }
0x36: {  	p1 =	seq.s32 s10, $0x1;
	s10 =	sld [smem:$0x3FAC];
	_ =	sdelay $0x3  }
0x37: {  	[smem:$0x3FAC] =	sst s10  }
0x38: {  	s10 =	sld [smem:$0x3FAD]  }
0x39: {  	_ = 	snop;
	(pc) =	sbr.ind lr, $3  }
0x3a: {  	_ = 	snop  }
0x3b: {  	_ = 	snop  }
0x3c: {  	p2 =	seq.s32 s10, $0x1;
	s10 =	sld [smem:$0x3FAC]  }
0x3d: {  	_ =	shalt  }
0x3e: {  	_ =	shalt  }
0x3f: {  	_ =	shalt  }
0x40: {  	_ =	shalt  }
0x41: {  	_ =	shalt  }
0x42: {  	_ =	shalt  }
0x43: {  	_ =	shalt  }
0x44: {  	_ =	shalt  }
0x45: {  	_ =	shalt  }
0x46: {  	_ =	shalt  }
0x47: {  	_ =	shalt  }
0x48: {  	_ =	shalt  }
0x49: {  	_ =	shalt  }
0x4a: {  	_ =	shalt  }
0x4b: {  	_ =	shalt  }
0x4c: {  	_ =	shalt  }
0x4d: {  	_ =	shalt  }
0x4e: {  	_ =	shalt  }
0x4f: {  	_ =	shalt  }
0x50: {  	_ =	shalt  }
0x51: {  	_ =	shalt  }
0x52: {  	_ =	shalt  }
0x53: {  	_ =	shalt  }
0x54: {  	_ =	shalt  }
0x55: {  	_ =	shalt  }
0x56: {  	_ =	shalt  }
0x57: {  	_ =	shalt  }
0x58: {  	_ =	shalt  }
0x59: {  	_ =	shalt  }
0x5a: {  	_ =	shalt  }
0x5b: {  	_ =	shalt  }
0x5c: {  	_ =	shalt  }
0x5d: {  	_ =	shalt  }
0x5e: {  	_ =	shalt  }
0x5f: {  	_ =	shalt  }
0x60: {  	_ =	shalt  }
0x61: {  	_ =	shalt  }
0x62: {  	_ =	shalt  }
0x63: {  	_ =	shalt  }
0x64: {  	_ =	shalt  }
0x65: {  	_ =	shalt  }
0x66: {  	_ =	shalt  }
0x67: {  	_ =	shalt  }
0x68: {  	_ =	shalt  }
0x69: {  	_ =	shalt  }
0x6a: {  	_ =	shalt  }
0x6b: {  	_ =	shalt  }
0x6c: {  	_ =	shalt  }
0x6d: {  	_ =	shalt  }
0x6e: {  	_ =	shalt  }
0x6f: {  	_ =	shalt  }
0x70: {  	_ =	shalt  }
0x71: {  	_ =	shalt  }
0x72: {  	_ =	shalt  }
0x73: {  	_ =	shalt  }
0x74: {  	_ =	shalt  }
0x75: {  	_ =	shalt  }
0x76: {  	_ =	shalt  }
0x77: {  	_ =	shalt  }
0x78: {  	_ =	shalt  }
0x79: {  	_ =	shalt  }
0x7a: {  	_ =	shalt  }
0x7b: {  	_ =	shalt  }
0x7c: {  	_ =	shalt  }
0x7d: {  	_ =	shalt  }
0x7e: {  	_ =	shalt  }
0x7f: {  	_ =	shalt  }
0x80: {  	_ =	shalt  }
0x81: {  	_ =	shalt  }
0x82: {  	_ =	shalt  }
0x83: {  	_ =	shalt  }
0x84: {  	_ =	shalt  }
0x85: {  	_ =	shalt  }
0x86: {  	_ =	shalt  }
0x87: {  	_ =	shalt  }
.Lfunc_end0:
.L_simem_size_0:
called_computation_lowered:
.L_overlay_start_0:
0x88: {  	s2 =	sld [smem:$0x3FD9]  }
0x89: {  	s3 =	sld [smem:$0x3FFE];
	_ =	sdelay $0x1  }
0x8a: {  	s1 =	srdreg.scid  }
0x8b: {  	s0 =	sand.u32 $0x1, s1  }
0x8c: {  	s16 =	sshll.u32 s0, $0xA;
	s2 =	sadd.s32 s3, s2  }
0x8d: {  	s2 =	sadd.s32 s2, s16  }
0x8e: {  	[smem:$0x3FB8] =	sst s2  }
0x8f: {  	_ = 	snop  }
0x90: {  	(tm) =	ssettm $0x1  }
0x91: {  	s17 =	sld [smem:$0x3FFB];
	_ =	sdelay $0x3  }
0x92: {  	_ =	strace s17  }
0x93: {  	s2 =	sld [smem:$0x3FFC];
	_ =	sdelay $0x3  }
0x94: {  	_ =	strace s2  }
0x95: {  	s2 =	sld [smem:$0x3FFD];
	_ =	sdelay $0x3  }
0x96: {  	_ =	strace s2  }
0x97: {  	_ =	strace $0x8FFFFFFF  }
0x98: {  	s18 =	sld [smem:$0x3FDB];
	_ =	sdelay $0x1  }
0x99: {  	s19 =	simm.s32 $_scs_section_size  }
0x9a: {  	s4 =	simm.s32 $_size__tile_overlayer_lowered;
	s5 =	simm.s32 $_tile_overlayer_lowered  }
0x9b: {  	s22 =	simm.s32 $0x1BFF;
	s21 =	sshll.u32 s5, $0x1;
	s2 =	sadd.s32 s19, s18  }
0x9c: {  	s6 =	simm.s32 $0x0;
	s20 =	sshll.u32 s4, $0x1;
	s4 =	sadd.s32 s21, s2  }
0x9d: {  	[timem:s6], [sflag:s22] =	dma.local [hbm:s4], s20  }
0x9e: {  	_ =	swait.ge [sflag:s22], s20  }
0x9f: {  	s3 =	ssub.s32 $0x0, s20;
	[sflag:s22] =	ssyncset.done $0x0  }
0xa0: {  	[sflag:s22] =	ssyncadd.s32 s3;
	_ =	sdelay $0x1  }
0xa1: {  	s23 =	simm.s32 $0x1B8B  }
0xa2: {  	_ =	swait.ge [sflag:s23], $0x1  }
0xa3: {  	[sflag:s23] =	ssyncset.done $0x0  }
0xa4: {  	s25 =	simm.s32 $0x1B8E;
	s24 =	sld [smem:$0x3FFE];
	[sflag:s23] =	ssyncadd.s32 $0xFFFFFFFF  }
0xa5: {  	s26 =	simm.s32 $execute0_lowered;
	[smem:$0x3FD2] =	sst s25  }
0xa6: {  	s4 =	sshll.u32 s26, $0x1;
	_ =	strace $0x80000046;
	[dreg:$0x1] =	wrdreg $0xFFFFFFFF  }
0xa7: {  	s28 =	simm.s32 $_size_execute0_lowered;
	s2 =	sadd.s32 s2, s4;
	[dreg:$0x0] =	wrdreg $0x0  }
0xa8: {  	s4 =	sshll.u32 s28, $0x1;
	[dreg:$0x2] =	wrdreg s2  }
0xa9: {  	[dreg:$0x3] =	wrdreg s4  }
0xaa: {  	[dreg:$0x4] =	wrdreg $0xC0  }
0xab: {  	_ =	task [dreg:s6], $0x5FFFF  }
0xac: {  	[dreg:$0x1] =	wrdreg $0xFFFFFFFF  }
0xad: {  	[dreg:$0x0] =	wrdreg $0x60  }
0xae: {  	[dreg:$0x2] =	wrdreg s24  }
0xaf: {  	[dreg:$0x3] =	wrdreg $0x9  }
0xb0: {  	_ =	task.clear_ibuf [dreg:s6], $0x4FFFF;
	_ =	strace $0x90000046  }
0xb1: {  	s29 =	simm.s32 $0x9;
	_ =	strace $0x80000048  }
0xb2: {  	_ =	swait.ge [sflag:s29], $0x1  }
0xb3: {  	[sflag:s29] =	ssyncadd.s32 $0xFFFFFFFF  }
0xb4: {  	_ =	strace $0x90000048  }
0xb5: {  	_ =	sfence  }
0xb6: {  	s30 =	sld [smem:$0x0];
	_ =	sdelay $0x2  }
0xb7: {  	s31 =	sshll.u32 s1, $0xD;
	s1 =	sshrl.u32 s1, $0x2  }
0xb8: {  	s3 =	sand.u32 $0x4000, s31;
	s1 =	sadd.s32 s1, s30  }
0xb9: {  	s0 =	sor.u32 s3, s0;
	s1 =	sshll.u32 s1, $0x11  }
0xba: {  	s0 =	sor.u32 s1, s0  }
0xbb: {  	s0 =	sadd.s32 $0x8F2B, s0  }
0xbc: {  	[sflag:s0] =	ssyncadd.remote.s32 $0x1  }
0xbd: {  	_ =	sfence.sel $0xFFFF  }
0xbe: {  	[dreg:$0x0] =	wrdreg $0xFFFFFFFF;
	(pc) =	sbr.abs _section_cstart, $3  }
0xbf: {  	[dreg:$0x1] =	wrdreg $0xFFFFFFFF  }
0xc0: {  	_ =	task.clear_ibuf [dreg:s6], $0x2FFFF;
	_ =	strace $0x9FFFFFFF  }
0xc1: {  	(tm) =	ssettm $0x7FFFFFFF  }
tec
execute0_lowered:
.L_overlay_start_1:
0x0: {  	(tag) =	ssettag $0x1  }
0x1: {  	s4 =	rddreg [dreg:$0x0]  }
0x2: {  	s3 =	srdreg.scid;
	s0 =	stileid.u32  }
0x3: {  	s2 =	simm.s32 $0x0;
	s9 =	simm.s32 $0x1;
	s10 =	simm.s32 $0x800  }
0x4: {  	s3 =	sand.u32 $0x1, s3;
	s5 =	sshll.u32 s0, $0x1;
	[smem:$0x7FF] =	sst s2  }
0x5: {  	s11 =	simm.s32 $0x0;
	s6 =	sor.u32 s3, s5;
	_ =	strace $0x80000047  }
0x6: {  	s7 =	ssub.s32 $0x2, s3;
	s3 =	sadd.s32 $0x4200, s4;
	s5 =	sshll.u32 s6, $0x8  }
0x7: {  	s8 =	sshrl.u32 s7, $0x1;
	s6 =	smul.u32 $0x28000, s6;
	s5 =	sadd.s32 s5, s4  }
0x8: {  	s4 =	sadd.s32 $0xF46600, s4;
	s7 =	ssub.s32 s7, s8;
	s31 =	sadd.s32 $0x2200, s5  }
0x9: {  	s8 =	simm.s32 $0x2;
	s7 =	smax.u32 s7, $0x1;
	[dreg:$0x2] =	wrdreg s31  }
.LBB2_1:
0xa: {  	s0 =	rddreg [dreg:$0x2]  }
0xb: {  	[tilespmem:s2], [sflag:$0x2] =	stream.linear.gather [hbm4b:s0+s2], $0x500, $0x38;
	[tilespmem:$0x4800] =	vst v63  }
0xc: {  	_ =	swait.ge [sflag:s8], $0x500  }
0xd: {  	[sflag:s8] =	ssyncset.done $0x0  }
0xe: {  	s12 =	simm.s32 $0x0;
	s13 =	simm.s32 $0x0;
	[sflag:s8] =	ssyncadd.s32 $0xFFFFFB00  }
.LBB2_2:
0xf: {  	v0 =	vld [tilespmem:s12+$0x0];
	_ =	sdelay $0x4  }
0x10: {  	v0 =	vshll.u32 v0, $0x4  }
0x11: {  	(v2sf) =	vpush v0, $0x0  }
0x12: {  	(v2sf) =	vpush v0, $0x1  }
0x13: {  	(v2sf) =	vpush v0, $0x2;
	_ =	sdelay $0x1  }
0x14: {  	(v2sf) =	vpush v0, $0x4;
	_ =	sdelay $0x1  }
0x15: {  	(v2sf) =	vpush v0, $0x3  }
0x16: {  	(v2sf) =	vpush v0, $0x5  }
0x17: {  	s15 =	simm.s32 $0x2000;
	s14 =	simm.s32 $0x0;
	s16 =	smov.u32 s12;
	(v2sf) =	vpush v0, $0x6  }
.LBB2_3:
0x18: {  	p0 =	sne.s32 s15, $0xE000  }
0x19: {  	s26 =	sadd.s32 $0x880, s14;
	s20 =	sadd.s32 $0xD80, s14;
	s17 =	smov.u32 s15  }
0x1a: {  	s15 =	sadd.s32 $0x2000, s15;
	s23 =	sadd.s32 $0xB80, s14;
	s18 =	sadd.s32 $0xE00, s14;
	(v2sf) =	vpush v0, $0x7  }
0x1b: {  	s25 =	sadd.s32 $0xA80, s14;
	s22 =	sadd.s32 $0xC00, s14;
	s19 =	sadd.s32 $0xE80, s14  }
0x1c: {  	s28 =	sadd.s32 $0x800, s14;
	s29 =	sadd.s32 $0xA00, s14;
	(v2sf) =	vpush v0, $0x8  }
0x1d: {  	s30 =	sadd.s32 $0xB00, s14;
	s16 =	sadd.s32 $0x10, s16  }
0x1e: {  	s31 =	sadd.s32 $0x900, s14;
	s21 =	sadd.s32 $0xD00, s14;
	s24 =	spop (v2sf);
	(v2sf) =	vpush v0, $0x9  }
0x1f: {  	s0 =	sand.u32 $0x1FFFFFF0, s24;
	s24 =	sadd.s32 $0xC80, s14;
	s1 =	spop (v2sf)  }
0x20: {  	s0 =	sadd.s32 s3, s0;
	s1 =	sand.u32 $0x1FFFFFF0, s1;
	s5 =	spop (v2sf);
	(v2sf) =	vpush v0, $0xA  }
0x21: {  	[tilespmem:s28], [sflag:$0x1] =	stream.linear.gather [hbm4b:s0+s2], $0x80, $0x38;
	[tilespmem:$0x4800] =	vst v63  }
0x22: {  	s0 =	sadd.s32 s3, s1;
	s1 =	sadd.s32 $0x980, s14;
	s28 =	spop (v2sf);
	(v2sf) =	vpush v0, $0xB  }
0x23: {  	[tilespmem:s26], [sflag:$0x1] =	stream.linear.gather [hbm4b:s0+s2], $0x80, $0x38;
	[tilespmem:$0x4800] =	vst v63  }
0x24: {  	s0 =	sand.u32 $0x1FFFFFF0, s5;
	s5 =	sand.u32 $0x1FFFFFF0, s28;
	s26 =	spop (v2sf);
	(v2sf) =	vpush v0, $0xC  }
0x25: {  	s0 =	sadd.s32 s3, s0;
	s26 =	sand.u32 $0x1FFFFFF0, s26;
	s28 =	spop (v2sf)  }
0x26: {  	[tilespmem:s31], [sflag:$0x1] =	stream.linear.gather [hbm4b:s0+s2], $0x80, $0x38;
	(v2sf) =	vpush v0, $0xD;
	[tilespmem:$0x4800] =	vst v63  }
0x27: {  	s0 =	sadd.s32 s3, s26;
	s26 =	sand.u32 $0x1FFFFFF0, s28;
	s28 =	spop (v2sf)  }
0x28: {  	[tilespmem:s1], [sflag:$0x1] =	stream.linear.gather [hbm4b:s0+s2], $0x80, $0x38;
	(v2sf) =	vpush v0, $0xE;
	[tilespmem:$0x4800] =	vst v63  }
0x29: {  	s0 =	sadd.s32 s3, s5;
	s1 =	sand.u32 $0x1FFFFFF0, s28;
	s5 =	spop (v2sf)  }
0x2a: {  	[tilespmem:s29], [sflag:$0x1] =	stream.linear.gather [hbm4b:s0+s2], $0x80, $0x38;
	(v2sf) =	vpush v0, $0xF;
	[tilespmem:$0x4800] =	vst v63  }
0x2b: {  	s0 =	sadd.s32 s3, s26;
	s5 =	sand.u32 $0x1FFFFFF0, s5;
	s26 =	spop (v2sf)  }
0x2c: {  	[tilespmem:s25], [sflag:$0x1] =	stream.linear.gather [hbm4b:s0+s2], $0x80, $0x38;
	[tilespmem:$0x4800] =	vst v63  }
0x2d: {  	s0 =	sadd.s32 s3, s1;
	s1 =	sand.u32 $0x1FFFFFF0, s26;
	s25 =	spop (v2sf)  }
0x2e: {  	[tilespmem:s30], [sflag:$0x1] =	stream.linear.gather [hbm4b:s0+s2], $0x80, $0x38;
	[tilespmem:$0x4800] =	vst v63  }
0x2f: {  	s0 =	sadd.s32 s3, s5;
	s5 =	sand.u32 $0x1FFFFFF0, s25;
	s25 =	spop (v2sf)  }
0x30: {  	[tilespmem:s23], [sflag:$0x1] =	stream.linear.gather [hbm4b:s0+s2], $0x80, $0x38;
	[tilespmem:$0x4800] =	vst v63  }
0x31: {  	s0 =	sadd.s32 s3, s1;
	s1 =	sand.u32 $0x1FFFFFF0, s25;
	s23 =	spop (v2sf)  }
0x32: {  	[tilespmem:s22], [sflag:$0x1] =	stream.linear.gather [hbm4b:s0+s2], $0x80, $0x38;
	[tilespmem:$0x4800] =	vst v63  }
0x33: {  	s0 =	sadd.s32 s3, s5;
	s5 =	sand.u32 $0x1FFFFFF0, s23;
	s22 =	spop (v2sf)  }
0x34: {  	[tilespmem:s24], [sflag:$0x1] =	stream.linear.gather [hbm4b:s0+s2], $0x80, $0x38;
	[tilespmem:$0x4800] =	vst v63  }
0x35: {  	s0 =	sadd.s32 s3, s1;
	s1 =	sand.u32 $0x1FFFFFF0, s22;
	s22 =	spop (v2sf)  }
0x36: {  	[tilespmem:s21], [sflag:$0x1] =	stream.linear.gather [hbm4b:s0+s2], $0x80, $0x38;
	[tilespmem:$0x4800] =	vst v63  }
0x37: {  	s0 =	sadd.s32 s3, s5;
	s5 =	sand.u32 $0x1FFFFFF0, s22;
	s21 =	spop (v2sf)  }
0x38: {  	[tilespmem:s20], [sflag:$0x1] =	stream.linear.gather [hbm4b:s0+s2], $0x80, $0x38;
	[tilespmem:$0x4800] =	vst v63  }
0x39: {  	s0 =	sadd.s32 s3, s1;
	s1 =	sand.u32 $0x1FFFFFF0, s21;
	s20 =	spop (v2sf)  }
0x3a: {  	[tilespmem:s18], [sflag:$0x1] =	stream.linear.gather [hbm4b:s0+s2], $0x80, $0x38;
	[tilespmem:$0x4800] =	vst v63  }
0x3b: {  	s0 =	sadd.s32 s3, s5;
	s5 =	sand.u32 $0x1FFFFFF0, s20  }
0x3c: {  	[tilespmem:s19], [sflag:$0x1] =	stream.linear.gather [hbm4b:s0+s2], $0x80, $0x38;
	[tilespmem:$0x4800] =	vst v63  }
0x3d: {  	s1 =	sadd.s32 s3, s1;
	s0 =	sadd.s32 $0xF00, s14  }
0x3e: {  	[tilespmem:s0], [sflag:$0x1] =	stream.linear.gather [hbm4b:s1+s2], $0x80, $0x38;
	[tilespmem:$0x4800] =	vst v63  }
0x3f: {  	s0 =	sadd.s32 $0xF80, s14;
	s1 =	sadd.s32 s3, s5  }
0x40: {  	[tilespmem:s0], [sflag:$0x1] =	stream.linear.gather [hbm4b:s1+s2], $0x80, $0x38;
	[tilespmem:$0x4800] =	vst v63  }
0x41: {  	v0 =	vld [tilespmem:s16+$0x0];
	_ =	sdelay $0x4  }
0x42: {  	v0 =	vshll.u32 v0, $0x4  }
0x43: {  	(v2sf) =	vpush v0, $0x0  }
0x44: {  	(v2sf) =	vpush v0, $0x1  }
0x45: {  	(v2sf) =	vpush v0, $0x2;
	_ =	sdelay $0x1  }
0x46: {  	(v2sf) =	vpush v0, $0x4  }
.Ltmp0:
0x47: {  	(pc) =	sbr.rel @p0 .LBB2_3-.Ltmp0, $3  }
0x48: {  	(v2sf) =	vpush v0, $0x3  }
0x49: {  	(v2sf) =	vpush v0, $0x5;
	_ =	sdelay $0x1  }
0x4a: {  	s14 =	sshra.s32 s17, $0x2;
	(v2sf) =	vpush v0, $0x6  }
0x4b: {  	_ =	sdelay $0x1  }
0x4c: {  	s0 =	sadd.s32 $0x880, s14;
	s17 =	sadd.s32 $0xD80, s14  }
0x4d: {  	s1 =	sadd.s32 $0xB80, s14;
	s15 =	sadd.s32 $0xE00, s14;
	(v2sf) =	vpush v0, $0x7;
	s5 =	sadd.s32 $0xA80, s14  }
0x4e: {  	s18 =	sadd.s32 $0xC00, s14;
	s16 =	sadd.s32 $0xE80, s14;
	s19 =	sadd.s32 $0x800, s14  }
0x4f: {  	s20 =	sadd.s32 $0xA00, s14;
	s21 =	sadd.s32 $0xB00, s14;
	(v2sf) =	vpush v0, $0x8;
	s22 =	spop (v2sf)  }
0x50: {  	s23 =	sadd.s32 $0x900, s14;
	s22 =	sand.u32 $0x1FFFFFF0, s22;
	s24 =	spop (v2sf)  }
0x51: {  	(v2sf) =	vpush v0, $0x9;
	s22 =	sadd.s32 s3, s22;
	s24 =	sand.u32 $0x1FFFFFF0, s24;
	s25 =	spop (v2sf)  }
0x52: {  	[tilespmem:s19], [sflag:$0x1] =	stream.linear.gather [hbm4b:s22+s2], $0x80, $0x38;
	[tilespmem:$0x4800] =	vst v63  }
0x53: {  	s26 =	sadd.s32 $0x980, s14;
	(v2sf) =	vpush v0, $0xA;
	s30 =	sadd.s32 s3, s24;
	s31 =	spop (v2sf)  }
0x54: {  	[tilespmem:s0], [sflag:$0x1] =	stream.linear.gather [hbm4b:s30+s2], $0x80, $0x38;
	[tilespmem:$0x4800] =	vst v63  }
0x55: {  	s19 =	sadd.s32 $0xD00, s14;
	s28 =	sand.u32 $0x1FFFFFF0, s25;
	(v2sf) =	vpush v0, $0xB;
	s29 =	spop (v2sf)  }
0x56: {  	s22 =	sadd.s32 s3, s28;
	s0 =	sadd.s32 $0xC80, s14;
	s25 =	sand.u32 $0x1FFFFFF0, s29  }
0x57: {  	(v2sf) =	vpush v0, $0xC;
	[tilespmem:s23], [sflag:$0x1] =	stream.linear.gather [hbm4b:s22+s2], $0x80, $0x38;
	[tilespmem:$0x4800] =	vst v63  }
0x58: {  	s30 =	sand.u32 $0x1FFFFFF0, s31;
	s31 =	spop (v2sf);
	s28 =	sadd.s32 s3, s25  }
0x59: {  	(v2sf) =	vpush v0, $0xD;
	[tilespmem:s26], [sflag:$0x1] =	stream.linear.gather [hbm4b:s28+s2], $0x80, $0x38;
	[tilespmem:$0x4800] =	vst v63  }
0x5a: {  	s22 =	sadd.s32 s3, s30;
	s23 =	sand.u32 $0x1FFFFFF0, s31;
	s29 =	spop (v2sf)  }
0x5b: {  	(v2sf) =	vpush v0, $0xE;
	[tilespmem:s20], [sflag:$0x1] =	stream.linear.gather [hbm4b:s22+s2], $0x80, $0x38;
	[tilespmem:$0x4800] =	vst v63  }
0x5c: {  	s23 =	sadd.s32 s3, s23;
	s30 =	sand.u32 $0x1FFFFFF0, s29;
	s31 =	spop (v2sf)  }
0x5d: {  	(v2sf) =	vpush v0, $0xF;
	[tilespmem:s5], [sflag:$0x1] =	stream.linear.gather [hbm4b:s23+s2], $0x80, $0x38;
	[tilespmem:$0x4800] =	vst v63  }
0x5e: {  	s24 =	sand.u32 $0x1FFFFFF0, s31;
	s25 =	spop (v2sf);
	s20 =	sadd.s32 s3, s30  }
0x5f: {  	[tilespmem:s21], [sflag:$0x1] =	stream.linear.gather [hbm4b:s20+s2], $0x80, $0x38;
	[tilespmem:$0x4800] =	vst v63  }
0x60: {  	s26 =	sand.u32 $0x1FFFFFF0, s25;
	s5 =	sadd.s32 s3, s24;
	s28 =	spop (v2sf)  }
0x61: {  	[tilespmem:s1], [sflag:$0x1] =	stream.linear.gather [hbm4b:s5+s2], $0x80, $0x38;
	[tilespmem:$0x4800] =	vst v63  }
0x62: {  	s20 =	sadd.s32 s3, s26;
	s29 =	sand.u32 $0x1FFFFFF0, s28;
	s30 =	spop (v2sf)  }
0x63: {  	[tilespmem:s18], [sflag:$0x1] =	stream.linear.gather [hbm4b:s20+s2], $0x80, $0x38;
	[tilespmem:$0x4800] =	vst v63  }
0x64: {  	s5 =	sand.u32 $0x1FFFFFF0, s30;
	s1 =	sadd.s32 s3, s29;
	s31 =	spop (v2sf)  }
0x65: {  	[tilespmem:s0], [sflag:$0x1] =	stream.linear.gather [hbm4b:s1+s2], $0x80, $0x38;
	[tilespmem:$0x4800] =	vst v63  }
0x66: {  	s5 =	sadd.s32 s3, s5;
	s20 =	sand.u32 $0x1FFFFFF0, s31;
	s21 =	spop (v2sf)  }
0x67: {  	[tilespmem:s19], [sflag:$0x1] =	stream.linear.gather [hbm4b:s5+s2], $0x80, $0x38;
	[tilespmem:$0x4800] =	vst v63  }
0x68: {  	s0 =	sadd.s32 s3, s20;
	s1 =	sand.u32 $0x1FFFFFF0, s21;
	s22 =	spop (v2sf)  }
0x69: {  	[tilespmem:s17], [sflag:$0x1] =	stream.linear.gather [hbm4b:s0+s2], $0x80, $0x38;
	[tilespmem:$0x4800] =	vst v63  }
0x6a: {  	s23 =	sand.u32 $0x1FFFFFF0, s22;
	s1 =	sadd.s32 s3, s1;
	s24 =	spop (v2sf)  }
0x6b: {  	[tilespmem:s15], [sflag:$0x1] =	stream.linear.gather [hbm4b:s1+s2], $0x80, $0x38;
	[tilespmem:$0x4800] =	vst v63  }
0x6c: {  	s25 =	sand.u32 $0x1FFFFFF0, s24;
	s26 =	spop (v2sf);
	s0 =	sadd.s32 s3, s23  }
0x6d: {  	[tilespmem:s16], [sflag:$0x1] =	stream.linear.gather [hbm4b:s0+s2], $0x80, $0x38;
	[tilespmem:$0x4800] =	vst v63  }
0x6e: {  	s29 =	sadd.s32 $0xF00, s14;
	s28 =	sand.u32 $0x1FFFFFF0, s26;
	s1 =	sadd.s32 s3, s25  }
0x6f: {  	[tilespmem:s29], [sflag:$0x1] =	stream.linear.gather [hbm4b:s1+s2], $0x80, $0x38;
	[tilespmem:$0x4800] =	vst v63  }
0x70: {  	s30 =	sadd.s32 $0xF80, s14;
	s31 =	sshll.u32 s13, $0xE;
	s0 =	sadd.s32 s3, s28  }
0x71: {  	[tilespmem:s30], [sflag:$0x1] =	stream.linear.gather [hbm4b:s0+s2], $0x80, $0x38;
	[tilespmem:$0x4800] =	vst v63  }
0x72: {  	s13 =	sadd.s32 $0x1, s13;
	s0 =	sadd.s32 s6, s31;
	_ =	swait.ge [sflag:s9], $0x4000  }
0x73: {  	p0 =	sne.s32 s13, $0xA;
	s0 =	sshrl.u32 s0, $0x3;
	[sflag:s9] =	ssyncset.done $0x0  }
.Ltmp1:
0x74: {  	s0 =	sadd.s32 s4, s0;
	[sflag:s9] =	ssyncadd.s32 $0xFFFFC000;
	(pc) =	sbr.rel @p0 .LBB2_2-.Ltmp1, $4  }
0x75: {  	[hbm4b:s0+s2] =	stream.linear.scatter [tilespmem:s10], [sflag:$0x2], $0x4000, $0x38;
	[tilespmem:$0x4800] =	vst v63  }
0x76: {  	_ =	swait.ge [sflag:s8], $0x4000  }
0x77: {  	[sflag:s8] =	ssyncset.done $0x0  }
0x78: {  	s12 =	sadd.s32 $0x80, s12;
	[sflag:s8] =	ssyncadd.s32 $0xFFFFC000  }
0x79: {  	s11 =	sadd.s32 $0x1, s11  }
0x7a: {  	p0 =	sne.s32 s11, s7  }
.Ltmp2:
0x7b: {  	_ = 	snop;
	(pc) =	sbr.rel @p0 .LBB2_1-.Ltmp2, $1  }
0x7c: {  	_ =	sdelay $0x3  }
0x7d: {  	_ =	sfence.sel $0x180000  }
0x7e: {  	[bflag:$0x0] =	sbarrier.arrive $0xFFFF  }
0x7f: {  	_ =	strace $0x90000047  }
0x80: {  	s0 =	stileid.u32;
	[bflag:$0x2] =	sbarrier.arrive $0xFFFF  }
0x81: {  	p0 =	sne.s32 s0, $0x0;
	s0 =	rddreg [dreg:$0x1]  }
0x82: {  	s0 =	sadd.s32 @!p0 $0x100000, s0  }
0x83: {  	[sflag:s0] =	ssyncadd.tile.s32 @!p0 $0x1;
	_ =	shalt  }
.Lfunc_end2:
_tile_overlayer_lowered:
.L_overlay_start_2:
0x84: {  	(tag) =	ssettag $0x2  }
0x85: {  	s0 =	rddreg [dreg:$0x0];
	s2 =	stileid.u32  }
0x86: {  	s1 =	rddreg [dreg:$0x1];
	p0 =	sne.s32 s2, $0x0  }
0x87: {  	s3 =	rddreg [dreg:$0x2];
	[bflag:$0x3] =	sbarrier.arrive $0xFFFF;
	s2 =	simm.s32 @!p0 $0x1C02  }
0x88: {  	[timem:s3], [sflag:s2] =	dma.local @!p0 [hbm:s0], s1  }
0x89: {  	s0 =	simm.s32 @!p0 $0x2  }
0x8a: {  	_ =	swait.ge @!p0 [sflag:s0], s1  }
0x8b: {  	s1 =	ssub.s32 @!p0 $0x0, s1;
	[sflag:s0] =	ssyncset.done @!p0 $0x0  }
0x8c: {  	[sflag:s0] =	ssyncadd.s32 @!p0 s1  }
0x8d: {  	[bflag:$0x3] =	sbarrier.arrive $0xFFFF  }
0x8e: {  	_ =	shalt  }

</sc_bundles>
